<compile_context>
chip_gen: v7x
topology: tpu7x:2x2x1
jax: 0.10.2.dev20260603
libtpu: 0.0.44.dev20260713+nightly
codegen_flags: <defaults>
</compile_context>

<pallas_src>
import functools

import jax
import jax.numpy as jnp
from jax import lax
from jax.experimental import pallas as pl
from jax.experimental.pallas import tpu as pltpu
from jax.experimental.pallas import tpu_sc as plsc

_W = 72
_H = 72
_DIM = 4
_ROWS_PER_TILE = 8
_ACTIVE_TILES = _W // _ROWS_PER_TILE
_COL_OFFS = (0, 16, 32, 48, 56)
_STATIC_RADIUS = 10


def _iou_body(feat_hbm, scal_hbm, out_hbm, ch4, obuf, scal_v, sem):
    wid = lax.axis_index("s")

    @pl.when(wid < _ACTIVE_TILES)
    def _():
        r0 = wid * _ROWS_PER_TILE

        cps = [
            pltpu.async_copy(scal_hbm, scal_v, sem),
            pltpu.async_copy(
                feat_hbm.at[0, 0, :, pl.ds(r0, _ROWS_PER_TILE)], ch4, sem),
        ]
        for cp in cps:
            cp.wait()

        svec = scal_v[...]
        t0 = jnp.full((16,), svec[0], jnp.float32)
        t1 = jnp.full((16,), svec[1], jnp.float32)
        t2 = jnp.full((16,), svec[2], jnp.float32)
        t3 = jnp.full((16,), svec[3], jnp.float32)
        ind0 = svec.astype(jnp.int32)[8]
        rmaxf = jnp.full((16,), float(_STATIC_RADIUS), jnp.float32)
        ch = ind0 // _W
        cw = ind0 % _W
        t_area = (t0 + t1) * (t2 + t3)
        col_iota = lax.iota(jnp.int32, 16)

        cols = []
        for off in _COL_OFFS:
            rwf = (col_iota + (off - cw)).astype(jnp.float32)
            twl = t0 + rwf
            twr = t1 - rwf
            col_score = jnp.minimum(rmaxf - jnp.abs(rwf),
                                    jnp.minimum(twl, twr))
            cols.append((off, twl, twr, col_score))

        def row_body(k, carry):
            rhf = (jnp.full((16,), r0 + k - ch, jnp.int32)
                   .astype(jnp.float32))
            tht = t2 + rhf
            thb = t3 - rhf
            row_score = jnp.minimum(rmaxf - jnp.abs(rhf),
                                    jnp.minimum(tht, thb))

            for off, twl, twr, col_score in cols:
                p_l = ch4[0, k, pl.ds(off, 16)]
                p_r = ch4[1, k, pl.ds(off, 16)]
                p_t = ch4[2, k, pl.ds(off, 16)]
                p_b = ch4[3, k, pl.ds(off, 16)]
                p_area = (p_l + p_r) * (p_t + p_b)
                w_i = jnp.minimum(p_l, twl) + jnp.minimum(p_r, twr)
                h_i = jnp.minimum(p_b, thb) + jnp.minimum(p_t, tht)
                a_i = w_i * h_i
                union = t_area + p_area - a_i
                iou = (a_i + 1.0) / (union + 1.0)
                m = jnp.minimum(row_score, col_score) >= 0.0
                obuf[k, pl.ds(off, 16)] = jnp.where(m, iou, 0.0)
            return carry

        lax.fori_loop(0, _ROWS_PER_TILE, row_body, 0)

        pltpu.sync_copy(obuf, out_hbm.at[pl.ds(r0, _ROWS_PER_TILE)])


_sc_iou = functools.partial(
    pl.kernel,
    out_type=jax.ShapeDtypeStruct((_W, _H), jnp.float32),
    mesh=plsc.VectorSubcoreMesh(core_axis_name="c", subcore_axis_name="s",
                                num_cores=1),
    scratch_types=[
        pltpu.VMEM((_DIM, _ROWS_PER_TILE, _H), jnp.float32),
        pltpu.VMEM((_ROWS_PER_TILE, _H), jnp.float32),
        pltpu.VMEM((16,), jnp.float32),
        pltpu.SemaphoreType.DMA,
    ],
)(_iou_body)


def kernel(output, ind, target, radius=10):
    scal = jnp.concatenate([
        target.reshape(-1)[:8],
        ind.reshape(-1)[:8].astype(jnp.float32),
    ])
    return _sc_iou(output, scal)

# --- scband reference (transcript-rebuilt; emitter-appended) ---
"""Pipeline reference for scband-dense-iou-pred-51977694216743 (READ-ONLY COPY).

The authoritative reference and input builder live on the scoring server;
editing this copy changes nothing except your own understanding.
"""

import jax, jax.numpy as jnp
import numpy as np


def _gather_feat(feat, ind):
    dim = feat.shape[2]
    ind_e = jnp.broadcast_to(ind[:, :, None], (ind.shape[0], ind.shape[1], dim))
    out = jnp.take_along_axis(feat, ind_e, axis=1)
    return out.reshape(ind.shape[0], dim)


def _tranpose_and_gather_feat(feat, ind):
    feat = jnp.transpose(feat, (0, 2, 3, 1))
    feat = feat.reshape(feat.shape[0], -1, feat.shape[3])
    return _gather_feat(feat, ind)


def _iou_pred(pred, target):
    pred_left = pred[:, 0]
    pred_top = pred[:, 2]
    pred_right = pred[:, 1]
    pred_bottom = pred[:, 3]
    target_left = target[:, 0]
    target_top = target[:, 2]
    target_right = target[:, 1]
    target_bottom = target[:, 3]
    target_area = (target_left + target_right) * (target_top + target_bottom)
    pred_area = (pred_left + pred_right) * (pred_top + pred_bottom)
    w_intersect = jnp.minimum(pred_left, target_left) + jnp.minimum(pred_right, target_right)
    h_intersect = jnp.minimum(pred_bottom, target_bottom) + jnp.minimum(pred_top, target_top)
    area_intersect = w_intersect * h_intersect
    area_union = target_area + pred_area - area_intersect
    iou = (area_intersect + 1.0) / (area_union + 1.0)
    return iou.mean()


def setup_inputs(seed: int = 0) -> dict:
    key = jax.random.key(seed)
    k1, k2, k3 = jax.random.split(key, 3)
    num_images, num_sequences, dim, width, height = 32, 8, 4, 72, 72
    output = jax.random.normal(k1, (num_images, num_sequences, dim, width, height), dtype=jnp.float32)
    ind = jax.random.randint(k2, (num_images, num_sequences, 1), 0, width * height, dtype=jnp.int32)
    # target box extents (l, r, t, b) in [15, 35) so the radius-shifted boxes stay non-negative
    target = jax.random.uniform(k3, (num_images, num_sequences, dim), dtype=jnp.float32) * 20.0 + 15.0
    return {"output": output, "ind": ind, "target": target, "radius": 10}


def reference(output, ind, target, radius=10):
    dim = 4
    width, height = output.shape[-2], output.shape[-1]
    output = output.reshape(-1, dim, width, height)[0][None]
    target = target.reshape(-1, dim)[0][None]
    ind = ind.reshape(-1, 1)[0][None]
    center_w = (ind % width).astype(jnp.int32).astype(jnp.float32)
    center_h = (ind.astype(jnp.float32) / width).astype(jnp.int32).astype(jnp.float32)
    iou_map = jnp.zeros((width, height), dtype=jnp.float32)
    ch = center_h[0, 0].astype(jnp.int32)
    cw = center_w[0, 0].astype(jnp.int32)
    static_radius = 10
    for r_w in range(-1 * static_radius, static_radius + 1):
        for r_h in range(-1 * static_radius, static_radius + 1):
            target_wl = target[:, 0] + r_w
            target_wr = target[:, 1] - r_w
            target_ht = target[:, 2] + r_h
            target_hb = target[:, 3] - r_h
            valid = jnp.logical_not(
                (target_wl < 0.0).any() | (target_wr < 0.0).any() | (target_ht < 0.0).any() | (target_hb < 0.0).any()
            )
            valid = valid & jnp.logical_not(
                (center_h + r_h < 0.0).any() | (center_h + r_h >= 1.0 * width).any()
                | (center_w + r_w < 0.0).any() | (center_w + r_w >= 1.0 * width).any()
            )
            valid = valid & (jnp.abs(r_w) <= radius) & (jnp.abs(r_h) <= radius)
            target_curr = jnp.stack((target_wl, target_wr, target_ht, target_hb), axis=1)
            ind_curr = ((center_h + r_h) * width + (center_w + r_w)).astype(jnp.int32)
            pred_curr = _tranpose_and_gather_feat(output, ind_curr)
            iou_curr = _iou_pred(pred_curr, target_curr)
            row = ch + r_h
            col = cw + r_w
            iou_map = iou_map.at[row, col].set(jnp.where(valid, iou_curr, iou_map[row, col]))
    return iou_map

if __name__ == "__main__":
    import jax
    _d = setup_inputs()
    print(jax.jit(kernel)(*tuple(_d.values())))

</pallas_src>

<mosaic_0001>
#map = affine_map<(d0, d1) -> (0, 0, 0, 0, 0)>
#map1 = affine_map<(d0, d1) -> (0)>
#map2 = affine_map<(d0, d1) -> (0, 0)>
module attributes {stable_mosaic.version = 14 : i64} {
  func.func @_iou_body(%arg0: i32, %arg1: i32, %arg2: memref<32x8x4x72x72xf32, #tpu.memory_space<hbm>>, %arg3: memref<16xf32, #tpu.memory_space<hbm>>, %arg4: memref<72x72xf32, #tpu.memory_space<hbm>>, %arg5: memref<4x8x72xf32, #tpu.memory_space<vmem>>, %arg6: memref<8x72xf32, #tpu.memory_space<vmem>>, %arg7: memref<16xf32, #tpu.memory_space<vmem>>, %arg8: memref<!tpu.dma_semaphore, #tpu.memory_space<semaphore_mem>>) attributes {dimension_semantics = [#tpu.dimension_semantics<core_parallel>, #tpu.dimension_semantics<subcore_parallel>], iteration_bounds = array<i64: 1, 16>, scalar_prefetch = 0 : i64, scratch_operands = 4 : i64, tpu.core_type = #tpu.core_type<sc_vector_subcore>, window_params = [{transform_indices = #map}, {transform_indices = #map1}, {transform_indices = #map2}]} {
    %lt3A = arith.constant 9 : i32
    %lt3A_0 = arith.cmpi slt, %arg1, %lt3A : i32
    %convert_element_type3A = arith.extui %lt3A_0 : i1 to i32
    %cond3A = arith.constant 0 : i32
    %cond3A_1 = arith.cmpi ne, %convert_element_type3A, %cond3A : i32
    scf.if %cond3A_1 {
      %mul3A = arith.constant 8 : i32
      %mul3A_2 = arith.muli %arg1, %mul3A : i32
      tpu.enqueue_dma source(%arg3 : memref<16xf32, #tpu.memory_space<hbm>>) target(%arg7 : memref<16xf32, #tpu.memory_space<vmem>>) target_semaphore(%arg8 : memref<!tpu.dma_semaphore, #tpu.memory_space<semaphore_mem>>)
      %dma_start3A = arith.constant 0 : i32
      %dma_start3A_3 = arith.constant 0 : i32
      %dma_start3A_4 = arith.constant 0 : i32
      %dma_start3A_5 = arith.constant 0 : i32
      %dma_start3A_6 = tpu.memref_slice %arg2[%dma_start3A, %dma_start3A_3, %dma_start3A_4, %mul3A_2, %dma_start3A_5] : memref<32x8x4x72x72xf32, #tpu.memory_space<hbm>> -> memref<1x1x4x8x72xf32, #tpu.memory_space<hbm>>
      %dma_start3A_7 = tpu.memref_squeeze %dma_start3A_6 : memref<1x1x4x8x72xf32, #tpu.memory_space<hbm>> -> memref<4x8x72xf32, #tpu.memory_space<hbm>>
      %dma_start3A_8 = arith.constant 0 : i32
      %dma_start3A_9 = arith.constant 0 : i32
      %dma_start3A_10 = tpu.memref_slice %arg2[%dma_start3A, %dma_start3A_3, %dma_start3A_8, %mul3A_2, %dma_start3A_9] : memref<32x8x4x72x72xf32, #tpu.memory_space<hbm>> -> memref<1x1x4x8x72xf32, #tpu.memory_space<hbm>>
      %dma_start3A_11 = tpu.memref_squeeze %dma_start3A_10 : memref<1x1x4x8x72xf32, #tpu.memory_space<hbm>> -> memref<4x8x72xf32, #tpu.memory_space<hbm>>
      tpu.enqueue_dma source(%dma_start3A_11 : memref<4x8x72xf32, #tpu.memory_space<hbm>>) target(%arg5 : memref<4x8x72xf32, #tpu.memory_space<vmem>>) target_semaphore(%arg8 : memref<!tpu.dma_semaphore, #tpu.memory_space<semaphore_mem>>)
      tpu.wait_dma2 semaphore(%arg8 : memref<!tpu.dma_semaphore, #tpu.memory_space<semaphore_mem>>) src(%arg3 : memref<16xf32, #tpu.memory_space<hbm>>) dst(%arg7 : memref<16xf32, #tpu.memory_space<vmem>>)
      %dma_wait3A = arith.constant 0 : i32
      %dma_wait3A_12 = arith.constant 0 : i32
      %dma_wait3A_13 = arith.constant 0 : i32
      %dma_wait3A_14 = arith.constant 0 : i32
      %dma_wait3A_15 = tpu.memref_slice %arg2[%dma_wait3A, %dma_wait3A_12, %dma_wait3A_13, %mul3A_2, %dma_wait3A_14] : memref<32x8x4x72x72xf32, #tpu.memory_space<hbm>> -> memref<1x1x4x8x72xf32, #tpu.memory_space<hbm>>
      %dma_wait3A_16 = tpu.memref_squeeze %dma_wait3A_15 : memref<1x1x4x8x72xf32, #tpu.memory_space<hbm>> -> memref<4x8x72xf32, #tpu.memory_space<hbm>>
      %dma_wait3A_17 = arith.constant 0 : i32
      %dma_wait3A_18 = arith.constant 0 : i32
      %dma_wait3A_19 = tpu.memref_slice %arg2[%dma_wait3A, %dma_wait3A_12, %dma_wait3A_17, %mul3A_2, %dma_wait3A_18] : memref<32x8x4x72x72xf32, #tpu.memory_space<hbm>> -> memref<1x1x4x8x72xf32, #tpu.memory_space<hbm>>
      %dma_wait3A_20 = tpu.memref_squeeze %dma_wait3A_19 : memref<1x1x4x8x72xf32, #tpu.memory_space<hbm>> -> memref<4x8x72xf32, #tpu.memory_space<hbm>>
      tpu.wait_dma2 semaphore(%arg8 : memref<!tpu.dma_semaphore, #tpu.memory_space<semaphore_mem>>) src(%dma_wait3A_20 : memref<4x8x72xf32, #tpu.memory_space<hbm>>) dst(%arg5 : memref<4x8x72xf32, #tpu.memory_space<vmem>>)
      %get3A = arith.constant 0 : index
      %get3A_21 = tpu.vector_load %arg7[%get3A] {strides = array<i32>} : memref<16xf32, #tpu.memory_space<vmem>>, vector<16xf32>,
      %get3A_22 = vector.shape_cast %get3A_21 : vector<16xf32> to vector<16xf32>
      %slice3A = vector.extract_strided_slice %get3A_22 {offsets = [0], sizes = [1], strides = [1]} : vector<16xf32> to vector<1xf32>
      %squeeze3A = vector.extract %slice3A[0] : f32 from vector<1xf32>
      %broadcast_in_dim3A = vector.broadcast %squeeze3A : f32 to vector<16xf32>
      %slice3A_23 = vector.extract_strided_slice %get3A_22 {offsets = [1], sizes = [1], strides = [1]} : vector<16xf32> to vector<1xf32>
      %squeeze3A_24 = vector.extract %slice3A_23[0] : f32 from vector<1xf32>
      %broadcast_in_dim3A_25 = vector.broadcast %squeeze3A_24 : f32 to vector<16xf32>
      %slice3A_26 = vector.extract_strided_slice %get3A_22 {offsets = [2], sizes = [1], strides = [1]} : vector<16xf32> to vector<1xf32>
      %squeeze3A_27 = vector.extract %slice3A_26[0] : f32 from vector<1xf32>
      %broadcast_in_dim3A_28 = vector.broadcast %squeeze3A_27 : f32 to vector<16xf32>
      %slice3A_29 = vector.extract_strided_slice %get3A_22 {offsets = [3], sizes = [1], strides = [1]} : vector<16xf32> to vector<1xf32>
      %squeeze3A_30 = vector.extract %slice3A_29[0] : f32 from vector<1xf32>
      %broadcast_in_dim3A_31 = vector.broadcast %squeeze3A_30 : f32 to vector<16xf32>
      %convert_element_type3A_32 = arith.fptosi %get3A_22 : vector<16xf32> to vector<16xi32>
      %slice3A_33 = vector.extract_strided_slice %convert_element_type3A_32 {offsets = [8], sizes = [1], strides = [1]} : vector<16xi32> to vector<1xi32>
      %squeeze3A_34 = vector.extract %slice3A_33[0] : i32 from vector<1xi32>
      %broadcast_in_dim3A_35 = arith.constant 1.000000e+01 : f32
      %broadcast_in_dim3A_36 = vector.broadcast %broadcast_in_dim3A_35 : f32 to vector<16xf32>
      %jit3A = arith.constant 72 : i32
      %div3A = arith.divsi %squeeze3A_34, %jit3A : i32
      %sign3A = arith.constant 0 : i32
      %sign3A_37 = arith.cmpi sgt, %squeeze3A_34, %sign3A : i32
      %sign3A_38 = arith.extui %sign3A_37 : i1 to i32
      %sign3A_39 = arith.constant 0 : i32
      %sign3A_40 = arith.cmpi slt, %squeeze3A_34, %sign3A_39 : i32
      %sign3A_41 = arith.extui %sign3A_40 : i1 to i32
      %sign3A_42 = arith.subi %sign3A_38, %sign3A_41 : i32
      %sign3A_43 = arith.constant 0 : i32
      %sign3A_44 = arith.cmpi sgt, %jit3A, %sign3A_43 : i32
      %sign3A_45 = arith.extui %sign3A_44 : i1 to i32
      %sign3A_46 = arith.constant 0 : i32
      %sign3A_47 = arith.cmpi slt, %jit3A, %sign3A_46 : i32
      %sign3A_48 = arith.extui %sign3A_47 : i1 to i32
      %sign3A_49 = arith.subi %sign3A_45, %sign3A_48 : i32
      %ne3A = arith.cmpi ne, %sign3A_42, %sign3A_49 : i32
      %rem3A = arith.remsi %squeeze3A_34, %jit3A : i32
      %ne3A_50 = arith.constant 0 : i32
      %ne3A_51 = arith.cmpi ne, %rem3A, %ne3A_50 : i32
      %and3A = arith.andi %ne3A, %ne3A_51 : i1
      %sub3A = arith.constant 1 : i32
      %sub3A_52 = arith.subi %div3A, %sub3A : i32
      %select_n3A = arith.select %and3A, %sub3A_52, %div3A : i32
      %jit3A_53 = arith.constant 72 : i32
      %eq3A = arith.constant 0 : i32
      %eq3A_54 = arith.cmpi eq, %jit3A_53, %eq3A : i32
      %jit3A_55 = arith.constant 1 : i32
      %select_n3A_56 = arith.select %eq3A_54, %jit3A_55, %jit3A_53 : i32
      %rem3A_57 = arith.remsi %squeeze3A_34, %select_n3A_56 : i32
      %ne3A_58 = arith.constant 0 : i32
      %ne3A_59 = arith.cmpi ne, %rem3A_57, %ne3A_58 : i32
      %lt3A_60 = arith.constant 0 : i32
      %lt3A_61 = arith.cmpi slt, %rem3A_57, %lt3A_60 : i32
      %lt3A_62 = arith.constant 0 : i32
      %lt3A_63 = arith.cmpi slt, %select_n3A_56, %lt3A_62 : i32
      %ne3A_64 = arith.xori %lt3A_61, %lt3A_63 : i1
      %and3A_65 = arith.andi %ne3A_64, %ne3A_59 : i1
      %add3A = arith.addi %rem3A_57, %select_n3A_56 : i32
      %select_n3A_66 = arith.select %and3A_65, %add3A, %rem3A_57 : i32
      %add3A_67 = arith.addf %broadcast_in_dim3A, %broadcast_in_dim3A_25 : vector<16xf32>
      %add3A_68 = arith.addf %broadcast_in_dim3A_28, %broadcast_in_dim3A_31 : vector<16xf32>
      %mul3A_69 = arith.mulf %add3A_67, %add3A_68 : vector<16xf32>
      %iota3A = tpu.iota {dimensions = array<i32: 0>} : vector<16xi32>
      %sub3A_70 = arith.constant 0 : i32
      %sub3A_71 = arith.subi %sub3A_70, %select_n3A_66 : i32
      %add3A_72 = vector.broadcast %sub3A_71 : i32 to vector<16xi32>
      %add3A_73 = arith.addi %iota3A, %add3A_72 : vector<16xi32>
      %convert_element_type3A_74 = arith.sitofp %add3A_73 : vector<16xi32> to vector<16xf32>
      %add3A_75 = arith.addf %broadcast_in_dim3A, %convert_element_type3A_74 : vector<16xf32>
      %sub3A_76 = arith.subf %broadcast_in_dim3A_25, %convert_element_type3A_74 : vector<16xf32>
      %abs3A = math.absf %convert_element_type3A_74 : vector<16xf32>
      %sub3A_77 = arith.subf %broadcast_in_dim3A_36, %abs3A : vector<16xf32>
      %min3A = arith.minimumf %add3A_75, %sub3A_76 : vector<16xf32>
      %min3A_78 = arith.minimumf %sub3A_77, %min3A : vector<16xf32>
      %sub3A_79 = arith.constant 16 : i32
      %sub3A_80 = arith.subi %sub3A_79, %select_n3A_66 : i32
      %add3A_81 = vector.broadcast %sub3A_80 : i32 to vector<16xi32>
      %add3A_82 = arith.addi %iota3A, %add3A_81 : vector<16xi32>
      %convert_element_type3A_83 = arith.sitofp %add3A_82 : vector<16xi32> to vector<16xf32>
      %add3A_84 = arith.addf %broadcast_in_dim3A, %convert_element_type3A_83 : vector<16xf32>
      %sub3A_85 = arith.subf %broadcast_in_dim3A_25, %convert_element_type3A_83 : vector<16xf32>
      %abs3A_86 = math.absf %convert_element_type3A_83 : vector<16xf32>
      %sub3A_87 = arith.subf %broadcast_in_dim3A_36, %abs3A_86 : vector<16xf32>
      %min3A_88 = arith.minimumf %add3A_84, %sub3A_85 : vector<16xf32>
      %min3A_89 = arith.minimumf %sub3A_87, %min3A_88 : vector<16xf32>
      %sub3A_90 = arith.constant 32 : i32
      %sub3A_91 = arith.subi %sub3A_90, %select_n3A_66 : i32
      %add3A_92 = vector.broadcast %sub3A_91 : i32 to vector<16xi32>
      %add3A_93 = arith.addi %iota3A, %add3A_92 : vector<16xi32>
      %convert_element_type3A_94 = arith.sitofp %add3A_93 : vector<16xi32> to vector<16xf32>
      %add3A_95 = arith.addf %broadcast_in_dim3A, %convert_element_type3A_94 : vector<16xf32>
      %sub3A_96 = arith.subf %broadcast_in_dim3A_25, %convert_element_type3A_94 : vector<16xf32>
      %abs3A_97 = math.absf %convert_element_type3A_94 : vector<16xf32>
      %sub3A_98 = arith.subf %broadcast_in_dim3A_36, %abs3A_97 : vector<16xf32>
      %min3A_99 = arith.minimumf %add3A_95, %sub3A_96 : vector<16xf32>
      %min3A_100 = arith.minimumf %sub3A_98, %min3A_99 : vector<16xf32>
      %sub3A_101 = arith.constant 48 : i32
      %sub3A_102 = arith.subi %sub3A_101, %select_n3A_66 : i32
      %add3A_103 = vector.broadcast %sub3A_102 : i32 to vector<16xi32>
      %add3A_104 = arith.addi %iota3A, %add3A_103 : vector<16xi32>
      %convert_element_type3A_105 = arith.sitofp %add3A_104 : vector<16xi32> to vector<16xf32>
      %add3A_106 = arith.addf %broadcast_in_dim3A, %convert_element_type3A_105 : vector<16xf32>
      %sub3A_107 = arith.subf %broadcast_in_dim3A_25, %convert_element_type3A_105 : vector<16xf32>
      %abs3A_108 = math.absf %convert_element_type3A_105 : vector<16xf32>
      %sub3A_109 = arith.subf %broadcast_in_dim3A_36, %abs3A_108 : vector<16xf32>
      %min3A_110 = arith.minimumf %add3A_106, %sub3A_107 : vector<16xf32>
      %min3A_111 = arith.minimumf %sub3A_109, %min3A_110 : vector<16xf32>
      %sub3A_112 = arith.constant 56 : i32
      %sub3A_113 = arith.subi %sub3A_112, %select_n3A_66 : i32
      %add3A_114 = vector.broadcast %sub3A_113 : i32 to vector<16xi32>
      %add3A_115 = arith.addi %iota3A, %add3A_114 : vector<16xi32>
      %convert_element_type3A_116 = arith.sitofp %add3A_115 : vector<16xi32> to vector<16xf32>
      %add3A_117 = arith.addf %broadcast_in_dim3A, %convert_element_type3A_116 : vector<16xf32>
      %sub3A_118 = arith.subf %broadcast_in_dim3A_25, %convert_element_type3A_116 : vector<16xf32>
      %abs3A_119 = math.absf %convert_element_type3A_116 : vector<16xf32>
      %sub3A_120 = arith.subf %broadcast_in_dim3A_36, %abs3A_119 : vector<16xf32>
      %min3A_121 = arith.minimumf %add3A_117, %sub3A_118 : vector<16xf32>
      %min3A_122 = arith.minimumf %sub3A_120, %min3A_121 : vector<16xf32>
      %scan3A = arith.constant 0 : i32
      %scan3A_123 = arith.constant 0 : i32
      %scan3A_124 = arith.constant 8 : i32
      %scan3A_125 = arith.addi %scan3A_123, %scan3A_124 : i32
      %scan3A_126 = arith.constant 1 : i32
      scf.for %scan3A_128 = %scan3A_123 to %scan3A_125 step %scan3A_126  : i32 {
        %add3A_129 = arith.addi %mul3A_2, %scan3A_128 : i32
        %sub3A_130 = arith.subi %add3A_129, %select_n3A : i32
        %broadcast_in_dim3A_131 = vector.broadcast %sub3A_130 : i32 to vector<16xi32>
        %convert_element_type3A_132 = arith.sitofp %broadcast_in_dim3A_131 : vector<16xi32> to vector<16xf32>
        %add3A_133 = arith.addf %broadcast_in_dim3A_28, %convert_element_type3A_132 : vector<16xf32>
        %sub3A_134 = arith.subf %broadcast_in_dim3A_31, %convert_element_type3A_132 : vector<16xf32>
        %abs3A_135 = math.absf %convert_element_type3A_132 : vector<16xf32>
        %sub3A_136 = arith.subf %broadcast_in_dim3A_36, %abs3A_135 : vector<16xf32>
        %min3A_137 = arith.minimumf %add3A_133, %sub3A_134 : vector<16xf32>
        %min3A_138 = arith.minimumf %sub3A_136, %min3A_137 : vector<16xf32>
        %get3A_139 = arith.constant 0 : i32
        %get3A_140 = arith.index_cast %get3A_139 : i32 to index
        %get3A_141 = arith.index_cast %scan3A_128 : i32 to index
        %get3A_142 = arith.constant 0 : index
        %get3A_143 = tpu.vector_load %arg5[%get3A_140, %get3A_141, %get3A_142] {strides = array<i32>} : memref<4x8x72xf32, #tpu.memory_space<vmem>>, vector<1x1x16xf32>,
        %get3A_144 = vector.shape_cast %get3A_143 : vector<1x1x16xf32> to vector<16xf32>
        %get3A_145 = arith.constant 1 : i32
        %get3A_146 = arith.index_cast %get3A_145 : i32 to index
        %get3A_147 = arith.index_cast %scan3A_128 : i32 to index
        %get3A_148 = arith.constant 0 : index
        %get3A_149 = tpu.vector_load %arg5[%get3A_146, %get3A_147, %get3A_148] {strides = array<i32>} : memref<4x8x72xf32, #tpu.memory_space<vmem>>, vector<1x1x16xf32>,
        %get3A_150 = vector.shape_cast %get3A_149 : vector<1x1x16xf32> to vector<16xf32>
        %get3A_151 = arith.constant 2 : i32
        %get3A_152 = arith.index_cast %get3A_151 : i32 to index
        %get3A_153 = arith.index_cast %scan3A_128 : i32 to index
        %get3A_154 = arith.constant 0 : index
        %get3A_155 = tpu.vector_load %arg5[%get3A_152, %get3A_153, %get3A_154] {strides = array<i32>} : memref<4x8x72xf32, #tpu.memory_space<vmem>>, vector<1x1x16xf32>,
        %get3A_156 = vector.shape_cast %get3A_155 : vector<1x1x16xf32> to vector<16xf32>
        %get3A_157 = arith.constant 3 : i32
        %get3A_158 = arith.index_cast %get3A_157 : i32 to index
        %get3A_159 = arith.index_cast %scan3A_128 : i32 to index
        %get3A_160 = arith.constant 0 : index
        %get3A_161 = tpu.vector_load %arg5[%get3A_158, %get3A_159, %get3A_160] {strides = array<i32>} : memref<4x8x72xf32, #tpu.memory_space<vmem>>, vector<1x1x16xf32>,
        %get3A_162 = vector.shape_cast %get3A_161 : vector<1x1x16xf32> to vector<16xf32>
        %add3A_163 = arith.addf %get3A_144, %get3A_150 : vector<16xf32>
        %add3A_164 = arith.addf %get3A_156, %get3A_162 : vector<16xf32>
        %mul3A_165 = arith.mulf %add3A_163, %add3A_164 : vector<16xf32>
        %min3A_166 = arith.minimumf %get3A_144, %add3A_75 : vector<16xf32>
        %min3A_167 = arith.minimumf %get3A_150, %sub3A_76 : vector<16xf32>
        %add3A_168 = arith.addf %min3A_166, %min3A_167 : vector<16xf32>
        %min3A_169 = arith.minimumf %get3A_162, %sub3A_134 : vector<16xf32>
        %min3A_170 = arith.minimumf %get3A_156, %add3A_133 : vector<16xf32>
        %add3A_171 = arith.addf %min3A_169, %min3A_170 : vector<16xf32>
        %mul3A_172 = arith.mulf %add3A_168, %add3A_171 : vector<16xf32>
        %add3A_173 = arith.addf %mul3A_69, %mul3A_165 : vector<16xf32>
        %sub3A_174 = arith.subf %add3A_173, %mul3A_172 : vector<16xf32>
        %add3A_175 = arith.constant 1.000000e+00 : f32
        %add3A_176 = vector.broadcast %add3A_175 : f32 to vector<16xf32>
        %add3A_177 = arith.addf %mul3A_172, %add3A_176 : vector<16xf32>
        %add3A_178 = arith.constant 1.000000e+00 : f32
        %add3A_179 = vector.broadcast %add3A_178 : f32 to vector<16xf32>
        %add3A_180 = arith.addf %sub3A_174, %add3A_179 : vector<16xf32>
        %div3A_181 = arith.divf %add3A_177, %add3A_180 : vector<16xf32>
        %min3A_182 = arith.minimumf %min3A_138, %min3A_78 : vector<16xf32>
        %ge3A = arith.constant 0.000000e+00 : f32
        %ge3A_183 = vector.broadcast %ge3A : f32 to vector<16xf32>
        %ge3A_184 = arith.cmpf oge, %min3A_182, %ge3A_183 : vector<16xf32>
        %jit3A_185 = arith.constant 0.000000e+00 : f32
        %broadcast_in_dim3A_186 = vector.broadcast %jit3A_185 : f32 to vector<16xf32>
        %select_n3A_187 = arith.select %ge3A_184, %div3A_181, %broadcast_in_dim3A_186 : vector<16xi1>, vector<16xf32>
        %swap3A = arith.index_cast %scan3A_128 : i32 to index
        %swap3A_188 = arith.constant 0 : index
        %swap3A_189 = tpu.vector_load %arg6[%swap3A, %swap3A_188] {strides = array<i32>} : memref<8x72xf32, #tpu.memory_space<vmem>>, vector<1x16xf32>,
        %swap3A_190 = vector.shape_cast %swap3A_189 : vector<1x16xf32> to vector<16xf32>
        %swap3A_191 = vector.shape_cast %select_n3A_187 : vector<16xf32> to vector<1x16xf32>
        tpu.vector_store %arg6[%swap3A, %swap3A_188], %swap3A_191 {strides = array<i32>} : memref<8x72xf32, #tpu.memory_space<vmem>>, vector<1x16xf32>,
        %get3A_192 = arith.constant 0 : i32
        %get3A_193 = arith.index_cast %get3A_192 : i32 to index
        %get3A_194 = arith.index_cast %scan3A_128 : i32 to index
        %get3A_195 = arith.constant 16 : index
        %get3A_196 = tpu.vector_load %arg5[%get3A_193, %get3A_194, %get3A_195] {strides = array<i32>} : memref<4x8x72xf32, #tpu.memory_space<vmem>>, vector<1x1x16xf32>,
        %get3A_197 = vector.shape_cast %get3A_196 : vector<1x1x16xf32> to vector<16xf32>
        %get3A_198 = arith.constant 1 : i32
        %get3A_199 = arith.index_cast %get3A_198 : i32 to index
        %get3A_200 = arith.index_cast %scan3A_128 : i32 to index
        %get3A_201 = arith.constant 16 : index
        %get3A_202 = tpu.vector_load %arg5[%get3A_199, %get3A_200, %get3A_201] {strides = array<i32>} : memref<4x8x72xf32, #tpu.memory_space<vmem>>, vector<1x1x16xf32>,
        %get3A_203 = vector.shape_cast %get3A_202 : vector<1x1x16xf32> to vector<16xf32>
        %get3A_204 = arith.constant 2 : i32
        %get3A_205 = arith.index_cast %get3A_204 : i32 to index
        %get3A_206 = arith.index_cast %scan3A_128 : i32 to index
        %get3A_207 = arith.constant 16 : index
        %get3A_208 = tpu.vector_load %arg5[%get3A_205, %get3A_206, %get3A_207] {strides = array<i32>} : memref<4x8x72xf32, #tpu.memory_space<vmem>>, vector<1x1x16xf32>,
        %get3A_209 = vector.shape_cast %get3A_208 : vector<1x1x16xf32> to vector<16xf32>
        %get3A_210 = arith.constant 3 : i32
        %get3A_211 = arith.index_cast %get3A_210 : i32 to index
        %get3A_212 = arith.index_cast %scan3A_128 : i32 to index
        %get3A_213 = arith.constant 16 : index
        %get3A_214 = tpu.vector_load %arg5[%get3A_211, %get3A_212, %get3A_213] {strides = array<i32>} : memref<4x8x72xf32, #tpu.memory_space<vmem>>, vector<1x1x16xf32>,
        %get3A_215 = vector.shape_cast %get3A_214 : vector<1x1x16xf32> to vector<16xf32>
        %add3A_216 = arith.addf %get3A_197, %get3A_203 : vector<16xf32>
        %add3A_217 = arith.addf %get3A_209, %get3A_215 : vector<16xf32>
        %mul3A_218 = arith.mulf %add3A_216, %add3A_217 : vector<16xf32>
        %min3A_219 = arith.minimumf %get3A_197, %add3A_84 : vector<16xf32>
        %min3A_220 = arith.minimumf %get3A_203, %sub3A_85 : vector<16xf32>
        %add3A_221 = arith.addf %min3A_219, %min3A_220 : vector<16xf32>
        %min3A_222 = arith.minimumf %get3A_215, %sub3A_134 : vector<16xf32>
        %min3A_223 = arith.minimumf %get3A_209, %add3A_133 : vector<16xf32>
        %add3A_224 = arith.addf %min3A_222, %min3A_223 : vector<16xf32>
        %mul3A_225 = arith.mulf %add3A_221, %add3A_224 : vector<16xf32>
        %add3A_226 = arith.addf %mul3A_69, %mul3A_218 : vector<16xf32>
        %sub3A_227 = arith.subf %add3A_226, %mul3A_225 : vector<16xf32>
        %add3A_228 = arith.constant 1.000000e+00 : f32
        %add3A_229 = vector.broadcast %add3A_228 : f32 to vector<16xf32>
        %add3A_230 = arith.addf %mul3A_225, %add3A_229 : vector<16xf32>
        %add3A_231 = arith.constant 1.000000e+00 : f32
        %add3A_232 = vector.broadcast %add3A_231 : f32 to vector<16xf32>
        %add3A_233 = arith.addf %sub3A_227, %add3A_232 : vector<16xf32>
        %div3A_234 = arith.divf %add3A_230, %add3A_233 : vector<16xf32>
        %min3A_235 = arith.minimumf %min3A_138, %min3A_89 : vector<16xf32>
        %ge3A_236 = arith.constant 0.000000e+00 : f32
        %ge3A_237 = vector.broadcast %ge3A_236 : f32 to vector<16xf32>
        %ge3A_238 = arith.cmpf oge, %min3A_235, %ge3A_237 : vector<16xf32>
        %jit3A_239 = arith.constant 0.000000e+00 : f32
        %broadcast_in_dim3A_240 = vector.broadcast %jit3A_239 : f32 to vector<16xf32>
        %select_n3A_241 = arith.select %ge3A_238, %div3A_234, %broadcast_in_dim3A_240 : vector<16xi1>, vector<16xf32>
        %swap3A_242 = arith.index_cast %scan3A_128 : i32 to index
        %swap3A_243 = arith.constant 16 : index
        %swap3A_244 = tpu.vector_load %arg6[%swap3A_242, %swap3A_243] {strides = array<i32>} : memref<8x72xf32, #tpu.memory_space<vmem>>, vector<1x16xf32>,
        %swap3A_245 = vector.shape_cast %swap3A_244 : vector<1x16xf32> to vector<16xf32>
        %swap3A_246 = vector.shape_cast %select_n3A_241 : vector<16xf32> to vector<1x16xf32>
        tpu.vector_store %arg6[%swap3A_242, %swap3A_243], %swap3A_246 {strides = array<i32>} : memref<8x72xf32, #tpu.memory_space<vmem>>, vector<1x16xf32>,
        %get3A_247 = arith.constant 0 : i32
        %get3A_248 = arith.index_cast %get3A_247 : i32 to index
        %get3A_249 = arith.index_cast %scan3A_128 : i32 to index
        %get3A_250 = arith.constant 32 : index
        %get3A_251 = tpu.vector_load %arg5[%get3A_248, %get3A_249, %get3A_250] {strides = array<i32>} : memref<4x8x72xf32, #tpu.memory_space<vmem>>, vector<1x1x16xf32>,
        %get3A_252 = vector.shape_cast %get3A_251 : vector<1x1x16xf32> to vector<16xf32>
        %get3A_253 = arith.constant 1 : i32
        %get3A_254 = arith.index_cast %get3A_253 : i32 to index
        %get3A_255 = arith.index_cast %scan3A_128 : i32 to index
        %get3A_256 = arith.constant 32 : index
        %get3A_257 = tpu.vector_load %arg5[%get3A_254, %get3A_255, %get3A_256] {strides = array<i32>} : memref<4x8x72xf32, #tpu.memory_space<vmem>>, vector<1x1x16xf32>,
        %get3A_258 = vector.shape_cast %get3A_257 : vector<1x1x16xf32> to vector<16xf32>
        %get3A_259 = arith.constant 2 : i32
        %get3A_260 = arith.index_cast %get3A_259 : i32 to index
        %get3A_261 = arith.index_cast %scan3A_128 : i32 to index
        %get3A_262 = arith.constant 32 : index
        %get3A_263 = tpu.vector_load %arg5[%get3A_260, %get3A_261, %get3A_262] {strides = array<i32>} : memref<4x8x72xf32, #tpu.memory_space<vmem>>, vector<1x1x16xf32>,
        %get3A_264 = vector.shape_cast %get3A_263 : vector<1x1x16xf32> to vector<16xf32>
        %get3A_265 = arith.constant 3 : i32
        %get3A_266 = arith.index_cast %get3A_265 : i32 to index
        %get3A_267 = arith.index_cast %scan3A_128 : i32 to index
        %get3A_268 = arith.constant 32 : index
        %get3A_269 = tpu.vector_load %arg5[%get3A_266, %get3A_267, %get3A_268] {strides = array<i32>} : memref<4x8x72xf32, #tpu.memory_space<vmem>>, vector<1x1x16xf32>,
        %get3A_270 = vector.shape_cast %get3A_269 : vector<1x1x16xf32> to vector<16xf32>
        %add3A_271 = arith.addf %get3A_252, %get3A_258 : vector<16xf32>
        %add3A_272 = arith.addf %get3A_264, %get3A_270 : vector<16xf32>
        %mul3A_273 = arith.mulf %add3A_271, %add3A_272 : vector<16xf32>
        %min3A_274 = arith.minimumf %get3A_252, %add3A_95 : vector<16xf32>
        %min3A_275 = arith.minimumf %get3A_258, %sub3A_96 : vector<16xf32>
        %add3A_276 = arith.addf %min3A_274, %min3A_275 : vector<16xf32>
        %min3A_277 = arith.minimumf %get3A_270, %sub3A_134 : vector<16xf32>
        %min3A_278 = arith.minimumf %get3A_264, %add3A_133 : vector<16xf32>
        %add3A_279 = arith.addf %min3A_277, %min3A_278 : vector<16xf32>
        %mul3A_280 = arith.mulf %add3A_276, %add3A_279 : vector<16xf32>
        %add3A_281 = arith.addf %mul3A_69, %mul3A_273 : vector<16xf32>
        %sub3A_282 = arith.subf %add3A_281, %mul3A_280 : vector<16xf32>
        %add3A_283 = arith.constant 1.000000e+00 : f32
        %add3A_284 = vector.broadcast %add3A_283 : f32 to vector<16xf32>
        %add3A_285 = arith.addf %mul3A_280, %add3A_284 : vector<16xf32>
        %add3A_286 = arith.constant 1.000000e+00 : f32
        %add3A_287 = vector.broadcast %add3A_286 : f32 to vector<16xf32>
        %add3A_288 = arith.addf %sub3A_282, %add3A_287 : vector<16xf32>
        %div3A_289 = arith.divf %add3A_285, %add3A_288 : vector<16xf32>
        %min3A_290 = arith.minimumf %min3A_138, %min3A_100 : vector<16xf32>
        %ge3A_291 = arith.constant 0.000000e+00 : f32
        %ge3A_292 = vector.broadcast %ge3A_291 : f32 to vector<16xf32>
        %ge3A_293 = arith.cmpf oge, %min3A_290, %ge3A_292 : vector<16xf32>
        %jit3A_294 = arith.constant 0.000000e+00 : f32
        %broadcast_in_dim3A_295 = vector.broadcast %jit3A_294 : f32 to vector<16xf32>
        %select_n3A_296 = arith.select %ge3A_293, %div3A_289, %broadcast_in_dim3A_295 : vector<16xi1>, vector<16xf32>
        %swap3A_297 = arith.index_cast %scan3A_128 : i32 to index
        %swap3A_298 = arith.constant 32 : index
        %swap3A_299 = tpu.vector_load %arg6[%swap3A_297, %swap3A_298] {strides = array<i32>} : memref<8x72xf32, #tpu.memory_space<vmem>>, vector<1x16xf32>,
        %swap3A_300 = vector.shape_cast %swap3A_299 : vector<1x16xf32> to vector<16xf32>
        %swap3A_301 = vector.shape_cast %select_n3A_296 : vector<16xf32> to vector<1x16xf32>
        tpu.vector_store %arg6[%swap3A_297, %swap3A_298], %swap3A_301 {strides = array<i32>} : memref<8x72xf32, #tpu.memory_space<vmem>>, vector<1x16xf32>,
        %get3A_302 = arith.constant 0 : i32
        %get3A_303 = arith.index_cast %get3A_302 : i32 to index
        %get3A_304 = arith.index_cast %scan3A_128 : i32 to index
        %get3A_305 = arith.constant 48 : index
        %get3A_306 = tpu.vector_load %arg5[%get3A_303, %get3A_304, %get3A_305] {strides = array<i32>} : memref<4x8x72xf32, #tpu.memory_space<vmem>>, vector<1x1x16xf32>,
        %get3A_307 = vector.shape_cast %get3A_306 : vector<1x1x16xf32> to vector<16xf32>
        %get3A_308 = arith.constant 1 : i32
        %get3A_309 = arith.index_cast %get3A_308 : i32 to index
        %get3A_310 = arith.index_cast %scan3A_128 : i32 to index
        %get3A_311 = arith.constant 48 : index
        %get3A_312 = tpu.vector_load %arg5[%get3A_309, %get3A_310, %get3A_311] {strides = array<i32>} : memref<4x8x72xf32, #tpu.memory_space<vmem>>, vector<1x1x16xf32>,
        %get3A_313 = vector.shape_cast %get3A_312 : vector<1x1x16xf32> to vector<16xf32>
        %get3A_314 = arith.constant 2 : i32
        %get3A_315 = arith.index_cast %get3A_314 : i32 to index
        %get3A_316 = arith.index_cast %scan3A_128 : i32 to index
        %get3A_317 = arith.constant 48 : index
        %get3A_318 = tpu.vector_load %arg5[%get3A_315, %get3A_316, %get3A_317] {strides = array<i32>} : memref<4x8x72xf32, #tpu.memory_space<vmem>>, vector<1x1x16xf32>,
        %get3A_319 = vector.shape_cast %get3A_318 : vector<1x1x16xf32> to vector<16xf32>
        %get3A_320 = arith.constant 3 : i32
        %get3A_321 = arith.index_cast %get3A_320 : i32 to index
        %get3A_322 = arith.index_cast %scan3A_128 : i32 to index
        %get3A_323 = arith.constant 48 : index
        %get3A_324 = tpu.vector_load %arg5[%get3A_321, %get3A_322, %get3A_323] {strides = array<i32>} : memref<4x8x72xf32, #tpu.memory_space<vmem>>, vector<1x1x16xf32>,
        %get3A_325 = vector.shape_cast %get3A_324 : vector<1x1x16xf32> to vector<16xf32>
        %add3A_326 = arith.addf %get3A_307, %get3A_313 : vector<16xf32>
        %add3A_327 = arith.addf %get3A_319, %get3A_325 : vector<16xf32>
        %mul3A_328 = arith.mulf %add3A_326, %add3A_327 : vector<16xf32>
        %min3A_329 = arith.minimumf %get3A_307, %add3A_106 : vector<16xf32>
        %min3A_330 = arith.minimumf %get3A_313, %sub3A_107 : vector<16xf32>
        %add3A_331 = arith.addf %min3A_329, %min3A_330 : vector<16xf32>
        %min3A_332 = arith.minimumf %get3A_325, %sub3A_134 : vector<16xf32>
        %min3A_333 = arith.minimumf %get3A_319, %add3A_133 : vector<16xf32>
        %add3A_334 = arith.addf %min3A_332, %min3A_333 : vector<16xf32>
        %mul3A_335 = arith.mulf %add3A_331, %add3A_334 : vector<16xf32>
        %add3A_336 = arith.addf %mul3A_69, %mul3A_328 : vector<16xf32>
        %sub3A_337 = arith.subf %add3A_336, %mul3A_335 : vector<16xf32>
        %add3A_338 = arith.constant 1.000000e+00 : f32
        %add3A_339 = vector.broadcast %add3A_338 : f32 to vector<16xf32>
        %add3A_340 = arith.addf %mul3A_335, %add3A_339 : vector<16xf32>
        %add3A_341 = arith.constant 1.000000e+00 : f32
        %add3A_342 = vector.broadcast %add3A_341 : f32 to vector<16xf32>
        %add3A_343 = arith.addf %sub3A_337, %add3A_342 : vector<16xf32>
        %div3A_344 = arith.divf %add3A_340, %add3A_343 : vector<16xf32>
        %min3A_345 = arith.minimumf %min3A_138, %min3A_111 : vector<16xf32>
        %ge3A_346 = arith.constant 0.000000e+00 : f32
        %ge3A_347 = vector.broadcast %ge3A_346 : f32 to vector<16xf32>
        %ge3A_348 = arith.cmpf oge, %min3A_345, %ge3A_347 : vector<16xf32>
        %jit3A_349 = arith.constant 0.000000e+00 : f32
        %broadcast_in_dim3A_350 = vector.broadcast %jit3A_349 : f32 to vector<16xf32>
        %select_n3A_351 = arith.select %ge3A_348, %div3A_344, %broadcast_in_dim3A_350 : vector<16xi1>, vector<16xf32>
        %swap3A_352 = arith.index_cast %scan3A_128 : i32 to index
        %swap3A_353 = arith.constant 48 : index
        %swap3A_354 = tpu.vector_load %arg6[%swap3A_352, %swap3A_353] {strides = array<i32>} : memref<8x72xf32, #tpu.memory_space<vmem>>, vector<1x16xf32>,
        %swap3A_355 = vector.shape_cast %swap3A_354 : vector<1x16xf32> to vector<16xf32>
        %swap3A_356 = vector.shape_cast %select_n3A_351 : vector<16xf32> to vector<1x16xf32>
        tpu.vector_store %arg6[%swap3A_352, %swap3A_353], %swap3A_356 {strides = array<i32>} : memref<8x72xf32, #tpu.memory_space<vmem>>, vector<1x16xf32>,
        %get3A_357 = arith.constant 0 : i32
        %get3A_358 = arith.index_cast %get3A_357 : i32 to index
        %get3A_359 = arith.index_cast %scan3A_128 : i32 to index
        %get3A_360 = arith.constant 56 : index
        %get3A_361 = tpu.vector_load %arg5[%get3A_358, %get3A_359, %get3A_360] {strides = array<i32>} : memref<4x8x72xf32, #tpu.memory_space<vmem>>, vector<1x1x16xf32>,
        %get3A_362 = vector.shape_cast %get3A_361 : vector<1x1x16xf32> to vector<16xf32>
        %get3A_363 = arith.constant 1 : i32
        %get3A_364 = arith.index_cast %get3A_363 : i32 to index
        %get3A_365 = arith.index_cast %scan3A_128 : i32 to index
        %get3A_366 = arith.constant 56 : index
        %get3A_367 = tpu.vector_load %arg5[%get3A_364, %get3A_365, %get3A_366] {strides = array<i32>} : memref<4x8x72xf32, #tpu.memory_space<vmem>>, vector<1x1x16xf32>,
        %get3A_368 = vector.shape_cast %get3A_367 : vector<1x1x16xf32> to vector<16xf32>
        %get3A_369 = arith.constant 2 : i32
        %get3A_370 = arith.index_cast %get3A_369 : i32 to index
        %get3A_371 = arith.index_cast %scan3A_128 : i32 to index
        %get3A_372 = arith.constant 56 : index
        %get3A_373 = tpu.vector_load %arg5[%get3A_370, %get3A_371, %get3A_372] {strides = array<i32>} : memref<4x8x72xf32, #tpu.memory_space<vmem>>, vector<1x1x16xf32>,
        %get3A_374 = vector.shape_cast %get3A_373 : vector<1x1x16xf32> to vector<16xf32>
        %get3A_375 = arith.constant 3 : i32
        %get3A_376 = arith.index_cast %get3A_375 : i32 to index
        %get3A_377 = arith.index_cast %scan3A_128 : i32 to index
        %get3A_378 = arith.constant 56 : index
        %get3A_379 = tpu.vector_load %arg5[%get3A_376, %get3A_377, %get3A_378] {strides = array<i32>} : memref<4x8x72xf32, #tpu.memory_space<vmem>>, vector<1x1x16xf32>,
        %get3A_380 = vector.shape_cast %get3A_379 : vector<1x1x16xf32> to vector<16xf32>
        %add3A_381 = arith.addf %get3A_362, %get3A_368 : vector<16xf32>
        %add3A_382 = arith.addf %get3A_374, %get3A_380 : vector<16xf32>
        %mul3A_383 = arith.mulf %add3A_381, %add3A_382 : vector<16xf32>
        %min3A_384 = arith.minimumf %get3A_362, %add3A_117 : vector<16xf32>
        %min3A_385 = arith.minimumf %get3A_368, %sub3A_118 : vector<16xf32>
        %add3A_386 = arith.addf %min3A_384, %min3A_385 : vector<16xf32>
        %min3A_387 = arith.minimumf %get3A_380, %sub3A_134 : vector<16xf32>
        %min3A_388 = arith.minimumf %get3A_374, %add3A_133 : vector<16xf32>
        %add3A_389 = arith.addf %min3A_387, %min3A_388 : vector<16xf32>
        %mul3A_390 = arith.mulf %add3A_386, %add3A_389 : vector<16xf32>
        %add3A_391 = arith.addf %mul3A_69, %mul3A_383 : vector<16xf32>
        %sub3A_392 = arith.subf %add3A_391, %mul3A_390 : vector<16xf32>
        %add3A_393 = arith.constant 1.000000e+00 : f32
        %add3A_394 = vector.broadcast %add3A_393 : f32 to vector<16xf32>
        %add3A_395 = arith.addf %mul3A_390, %add3A_394 : vector<16xf32>
        %add3A_396 = arith.constant 1.000000e+00 : f32
        %add3A_397 = vector.broadcast %add3A_396 : f32 to vector<16xf32>
        %add3A_398 = arith.addf %sub3A_392, %add3A_397 : vector<16xf32>
        %div3A_399 = arith.divf %add3A_395, %add3A_398 : vector<16xf32>
        %min3A_400 = arith.minimumf %min3A_138, %min3A_122 : vector<16xf32>
        %ge3A_401 = arith.constant 0.000000e+00 : f32
        %ge3A_402 = vector.broadcast %ge3A_401 : f32 to vector<16xf32>
        %ge3A_403 = arith.cmpf oge, %min3A_400, %ge3A_402 : vector<16xf32>
        %jit3A_404 = arith.constant 0.000000e+00 : f32
        %broadcast_in_dim3A_405 = vector.broadcast %jit3A_404 : f32 to vector<16xf32>
        %select_n3A_406 = arith.select %ge3A_403, %div3A_399, %broadcast_in_dim3A_405 : vector<16xi1>, vector<16xf32>
        %swap3A_407 = arith.index_cast %scan3A_128 : i32 to index
        %swap3A_408 = arith.constant 56 : index
        %swap3A_409 = tpu.vector_load %arg6[%swap3A_407, %swap3A_408] {strides = array<i32>} : memref<8x72xf32, #tpu.memory_space<vmem>>, vector<1x16xf32>,
        %swap3A_410 = vector.shape_cast %swap3A_409 : vector<1x16xf32> to vector<16xf32>
        %swap3A_411 = vector.shape_cast %select_n3A_406 : vector<16xf32> to vector<1x16xf32>
        tpu.vector_store %arg6[%swap3A_407, %swap3A_408], %swap3A_411 {strides = array<i32>} : memref<8x72xf32, #tpu.memory_space<vmem>>, vector<1x16xf32>,
      }
      %scan3A_127 = arith.constant 8 : i32
      "tpu.region"() ({
        %run_scoped3A = tpu.sem_alloc : memref<!tpu.dma_semaphore, #tpu.memory_space<semaphore_mem>>
        %dma_start3A_128 = arith.constant 0 : i32
        %dma_start3A_129 = tpu.memref_slice %arg4[%mul3A_2, %dma_start3A_128] : memref<72x72xf32, #tpu.memory_space<hbm>> -> memref<8x72xf32, #tpu.memory_space<hbm>>
        %dma_start3A_130 = arith.constant 0 : i32
        %dma_start3A_131 = tpu.memref_slice %arg4[%mul3A_2, %dma_start3A_130] : memref<72x72xf32, #tpu.memory_space<hbm>> -> memref<8x72xf32, #tpu.memory_space<hbm>>
        tpu.enqueue_dma source(%arg6 : memref<8x72xf32, #tpu.memory_space<vmem>>) target(%dma_start3A_131 : memref<8x72xf32, #tpu.memory_space<hbm>>) target_semaphore(%run_scoped3A : memref<!tpu.dma_semaphore, #tpu.memory_space<semaphore_mem>>)
        %dma_wait3A_132 = arith.constant 0 : i32
        %dma_wait3A_133 = tpu.memref_slice %arg4[%mul3A_2, %dma_wait3A_132] : memref<72x72xf32, #tpu.memory_space<hbm>> -> memref<8x72xf32, #tpu.memory_space<hbm>>
        %dma_wait3A_134 = arith.constant 0 : i32
        %dma_wait3A_135 = tpu.memref_slice %arg4[%mul3A_2, %dma_wait3A_134] : memref<72x72xf32, #tpu.memory_space<hbm>> -> memref<8x72xf32, #tpu.memory_space<hbm>>
        tpu.wait_dma2 semaphore(%run_scoped3A : memref<!tpu.dma_semaphore, #tpu.memory_space<semaphore_mem>>) src(%arg6 : memref<8x72xf32, #tpu.memory_space<vmem>>) dst(%dma_wait3A_135 : memref<8x72xf32, #tpu.memory_space<hbm>>)
        tpu.yield
      }) : () -> ()
    } else {
    }
    return
  }
}

</mosaic_0001>

<sc_bundles>
// kernel: kernel.3.cloned.1.call-start
scs
__scs_entry_jumppad:
0x0: {  	(pc) =	sbr.rel $0x88, $3  }
0x1: {  	(tag) =	ssettag $0x0;
	lr =	simm.s32 $0x1  }
0x2: {  	[smem:$0x3F9E] =	sst lr;
	_ =	strace $0xD0000000  }
0x3: {  	_ = 	snop  }
0x4: {  	_ = 	snop  }
0x5: {  	_ = 	snop  }
0x6: {  	_ = 	snop  }
0x7: {  	_ = 	snop  }
__scs_overlays_trampoline_lowered:
0x8: {  	[smem:$0x3FAD] =	sst s0  }
0x9: {  	[smem:$0x3FAE] =	sst s1  }
0xa: {  	[smem:$0x3FAF] =	sst s2  }
0xb: {  	[smem:$0x3FB0] =	sst s3  }
0xc: {  	[smem:$0x3FB1] =	sst s4  }
0xd: {  	[smem:$0x3FB2] =	sst s5  }
0xe: {  	[smem:$0x3FB3] =	sst s6  }
0xf: {  	[smem:$0x3FB4] =	sst s7  }
0x10: {  	[smem:$0x3FB5] =	sst s8  }
0x11: {  	[smem:$0x3FB6] =	sst s9;
	s0 =	simm.s32 @!p0 $0x0  }
0x12: {  	s1 =	sld [smem:$0x3F9C];
	s0 =	simm.s32 @p0 $0x1  }
0x13: {  	[smem:$0x3FB7] =	sst s0;
	s0 =	simm.s32 @!p1 $0x0  }
0x14: {  	s2 =	sld [smem:$0x3F9B];
	s0 =	simm.s32 @p1 $0x1  }
0x15: {  	[smem:$0x3FB8] =	sst s0;
	s0 =	simm.s32 @!p2 $0x0  }
0x16: {  	s3 =	sld [smem:$0x3FDB];
	s0 =	simm.s32 @p2 $0x1  }
0x17: {  	s4 =	simm.s32 $0x1BF5;
	[smem:$0x3FBA] =	sst s0  }
0x18: {  	s0 =	sld [smem:$0x3F9D];
	_ =	swait.ge [sflag:s4], $0x0  }
0x19: {  	s7 =	sld [smem:$0x3F9E]  }
0x1a: {  	s8 =	sadd.s32 $0xFFFFE003, lr  }
0x1b: {  	s9 =	sadd.s32 $0xFFFFFEF7, lr;
	s5 =	simm.s32 $0xFFFFFFFF;
	p2 =	slt.u32 s8, $0xFFFFF086  }
0x1c: {  	p1 =	slt.u32 s9, $0xF7A;
	s5 =	simm.s32 @!p2 $0x0  }
0x1d: {  	s5 =	simm.s32 @p1 $0x1;
	p0 =	seq.s32 s7, s2  }
0x1e: {  	s7 =	smul.u32 @!p0 $0xF7A, s2;
	p2 =	seq.s32 @!p0 s5, $0x0  }
0x1f: {  	s9 =	smul.u32 $0xF7A, s1;
	s8 =	simm.s32 @!p0 $0x1BF5;
	p2 =	por !p2, p0  }
0x20: {  	[sflag:s8] =	ssyncset.s32 @!p0 $0xFFFFF086;
	s6 =	sadd.s32 @!p0 s3, s7;
	s7 =	simm.s32 @!p0 $0x108  }
0x21: {  	s3 =	sadd.s32 s3, s9;
	s6 =	sadd.s32 @!p0 $0x88, s6;
	s7 =	simm.s32 @p2 $0x1082  }
0x22: {  	[simem:s7], [sflag:s8] =	dma.local @!p0 [hbm:s6], $0xF7A  }
0x23: {  	s9 =	sor.u32 $0xD0000000, s2;
	s6 =	simm.s32 $0x108;
	_ =	swait.ge @!p0 [sflag:s8], $0x0  }
0x24: {  	s3 =	sadd.s32 $0x88, s3;
	s6 =	simm.s32 @!p1 $0x1082;
	[sflag:s4] =	ssyncset.s32 $0xFFFFF086  }
0x25: {  	[simem:s6], [sflag:s4] =	dma.local [hbm:s3], $0xF7A  }
0x26: {  	[smem:$0x3F9E] =	sst s1;
	(tag) =	ssettag s2;
	_ =	strace s9  }
0x27: {  	s1 =	sld [smem:$0x3FAE]  }
0x28: {  	s2 =	sld [smem:$0x3FAF]  }
0x29: {  	s4 =	sld [smem:$0x3FB1]  }
0x2a: {  	p0 =	seq.s32 s5, $0x0;
	s5 =	sld [smem:$0x3FB2]  }
0x2b: {  	s6 =	sld [smem:$0x3FB3]  }
0x2c: {  	s7 =	sld [smem:$0x3FB4]  }
0x2d: {  	s3 =	simm.s32 $0x108;
	s8 =	sld [smem:$0x3FB5]  }
0x2e: {  	s3 =	simm.s32 @!p0 $0x1082;
	s9 =	sld [smem:$0x3FB6]  }
0x2f: {  	lr =	sadd.s32 s0, s3;
	s0 =	sld [smem:$0x3FAD]  }
0x30: {  	s3 =	sld [smem:$0x3FB0]  }
0x31: {  	[smem:$0x3FB9] =	sst s10  }
0x32: {  	s10 =	sld [smem:$0x3FB7];
	_ =	sdelay $0x3  }
0x33: {  	p0 =	seq.s32 s10, $0x1;
	s10 =	sld [smem:$0x3FB9];
	_ =	sdelay $0x3  }
0x34: {  	[smem:$0x3FB9] =	sst s10  }
0x35: {  	s10 =	sld [smem:$0x3FB8];
	_ =	sdelay $0x3  }
0x36: {  	p1 =	seq.s32 s10, $0x1;
	s10 =	sld [smem:$0x3FB9];
	_ =	sdelay $0x3  }
0x37: {  	[smem:$0x3FB9] =	sst s10  }
0x38: {  	s10 =	sld [smem:$0x3FBA]  }
0x39: {  	_ = 	snop;
	(pc) =	sbr.ind lr, $3  }
0x3a: {  	_ = 	snop  }
0x3b: {  	_ = 	snop  }
0x3c: {  	p2 =	seq.s32 s10, $0x1;
	s10 =	sld [smem:$0x3FB9]  }
0x3d: {  	_ =	shalt  }
0x3e: {  	_ =	shalt  }
0x3f: {  	_ =	shalt  }
0x40: {  	_ =	shalt  }
0x41: {  	_ =	shalt  }
0x42: {  	_ =	shalt  }
0x43: {  	_ =	shalt  }
0x44: {  	_ =	shalt  }
0x45: {  	_ =	shalt  }
0x46: {  	_ =	shalt  }
0x47: {  	_ =	shalt  }
0x48: {  	_ =	shalt  }
0x49: {  	_ =	shalt  }
0x4a: {  	_ =	shalt  }
0x4b: {  	_ =	shalt  }
0x4c: {  	_ =	shalt  }
0x4d: {  	_ =	shalt  }
0x4e: {  	_ =	shalt  }
0x4f: {  	_ =	shalt  }
0x50: {  	_ =	shalt  }
0x51: {  	_ =	shalt  }
0x52: {  	_ =	shalt  }
0x53: {  	_ =	shalt  }
0x54: {  	_ =	shalt  }
0x55: {  	_ =	shalt  }
0x56: {  	_ =	shalt  }
0x57: {  	_ =	shalt  }
0x58: {  	_ =	shalt  }
0x59: {  	_ =	shalt  }
0x5a: {  	_ =	shalt  }
0x5b: {  	_ =	shalt  }
0x5c: {  	_ =	shalt  }
0x5d: {  	_ =	shalt  }
0x5e: {  	_ =	shalt  }
0x5f: {  	_ =	shalt  }
0x60: {  	_ =	shalt  }
0x61: {  	_ =	shalt  }
0x62: {  	_ =	shalt  }
0x63: {  	_ =	shalt  }
0x64: {  	_ =	shalt  }
0x65: {  	_ =	shalt  }
0x66: {  	_ =	shalt  }
0x67: {  	_ =	shalt  }
0x68: {  	_ =	shalt  }
0x69: {  	_ =	shalt  }
0x6a: {  	_ =	shalt  }
0x6b: {  	_ =	shalt  }
0x6c: {  	_ =	shalt  }
0x6d: {  	_ =	shalt  }
0x6e: {  	_ =	shalt  }
0x6f: {  	_ =	shalt  }
0x70: {  	_ =	shalt  }
0x71: {  	_ =	shalt  }
0x72: {  	_ =	shalt  }
0x73: {  	_ =	shalt  }
0x74: {  	_ =	shalt  }
0x75: {  	_ =	shalt  }
0x76: {  	_ =	shalt  }
0x77: {  	_ =	shalt  }
0x78: {  	_ =	shalt  }
0x79: {  	_ =	shalt  }
0x7a: {  	_ =	shalt  }
0x7b: {  	_ =	shalt  }
0x7c: {  	_ =	shalt  }
0x7d: {  	_ =	shalt  }
0x7e: {  	_ =	shalt  }
0x7f: {  	_ =	shalt  }
0x80: {  	_ =	shalt  }
0x81: {  	_ =	shalt  }
0x82: {  	_ =	shalt  }
0x83: {  	_ =	shalt  }
0x84: {  	_ =	shalt  }
0x85: {  	_ =	shalt  }
0x86: {  	_ =	shalt  }
0x87: {  	_ =	shalt  }
.Lfunc_end0:
.L_simem_size_0:
called_computation_lowered:
.L_overlay_start_0:
0x88: {  	s0 =	sld [smem:$0x3FD9]  }
0x89: {  	s1 =	sld [smem:$0x3FFE];
	_ =	sdelay $0x3  }
0x8a: {  	s0 =	sadd.s32 s1, s0  }
0x8b: {  	[smem:$0x3FC5] =	sst s0  }
0x8c: {  	_ = 	snop  }
0x8d: {  	s0 =	sld [smem:$0x3FC9]  }
0x8e: {  	s16 =	sld [smem:$0x3FD0];
	(tm) =	ssettm $0x1  }
0x8f: {  	s2 =	sld [smem:$0x3FFB];
	_ =	sdelay $0x3  }
0x90: {  	_ =	strace s2  }
0x91: {  	s2 =	sld [smem:$0x3FFC];
	_ =	sdelay $0x3  }
0x92: {  	_ =	strace s2  }
0x93: {  	s2 =	sld [smem:$0x3FFD];
	_ =	sdelay $0x3  }
0x94: {  	_ =	strace s2  }
0x95: {  	_ =	strace $0x8FFFFFFF  }
0x96: {  	s17 =	sld [smem:$0x3FDB];
	_ =	sdelay $0x1  }
0x97: {  	s3 =	simm.s32 $_scs_section_size  }
0x98: {  	s4 =	simm.s32 $_size__tile_overlayer_lowered;
	s5 =	simm.s32 $_tile_overlayer_lowered  }
0x99: {  	s20 =	simm.s32 $0x1BFF;
	s19 =	sshll.u32 s5, $0x1;
	s2 =	sadd.s32 s3, s17  }
0x9a: {  	s6 =	simm.s32 $0x0;
	s18 =	sshll.u32 s4, $0x1;
	s4 =	sadd.s32 s19, s2  }
0x9b: {  	[timem:s6], [sflag:s20] =	dma.local [hbm:s4], s18  }
0x9c: {  	_ =	swait.ge [sflag:s20], s18  }
0x9d: {  	s3 =	ssub.s32 $0x0, s18;
	[sflag:s20] =	ssyncset.done $0x0  }
0x9e: {  	[sflag:s20] =	ssyncadd.s32 s3;
	_ =	sdelay $0x1  }
0x9f: {  	s21 =	simm.s32 $0x1B8B  }
0xa0: {  	_ =	swait.ge [sflag:s21], $0x1  }
0xa1: {  	[sflag:s21] =	ssyncset.done $0x0  }
0xa2: {  	s23 =	simm.s32 $0x1B8E;
	s22 =	sld [smem:$0x3FFE];
	[sflag:s21] =	ssyncadd.s32 $0xFFFFFFFF  }
0xa3: {  	s24 =	simm.s32 $execute0_lowered;
	[smem:$0x3FD2] =	sst s23  }
0xa4: {  	s4 =	sshll.u32 s24, $0x1;
	_ =	strace $0x80000046;
	[dreg:$0x1] =	wrdreg $0xFFFFFFFF  }
0xa5: {  	s25 =	simm.s32 $_size_execute0_lowered;
	s2 =	sadd.s32 s2, s4;
	[dreg:$0x0] =	wrdreg $0x0  }
0xa6: {  	s4 =	sshll.u32 s25, $0x1;
	[dreg:$0x2] =	wrdreg s2  }
0xa7: {  	[dreg:$0x3] =	wrdreg s4  }
0xa8: {  	[dreg:$0x4] =	wrdreg $0xC0  }
0xa9: {  	_ =	task [dreg:s6], $0x5FFFF  }
0xaa: {  	[dreg:$0x1] =	wrdreg $0xFFFFFFFF  }
0xab: {  	[dreg:$0x0] =	wrdreg $0x60  }
0xac: {  	[dreg:$0x2] =	wrdreg s0  }
0xad: {  	[dreg:$0x3] =	wrdreg s22  }
0xae: {  	[dreg:$0x4] =	wrdreg s16  }
0xaf: {  	[dreg:$0x5] =	wrdreg $0x9  }
0xb0: {  	_ =	task.clear_ibuf [dreg:s6], $0x6FFFF;
	_ =	strace $0x90000046  }
0xb1: {  	s26 =	simm.s32 $0x9;
	_ =	strace $0x80000048  }
0xb2: {  	_ =	swait.ge [sflag:s26], $0x1  }
0xb3: {  	[sflag:s26] =	ssyncadd.s32 $0xFFFFFFFF  }
0xb4: {  	_ =	strace $0x90000048  }
0xb5: {  	_ =	sfence  }
0xb6: {  	s28 =	sld [smem:$0x0];
	_ =	sdelay $0x1  }
0xb7: {  	s29 =	srdreg.scid  }
0xb8: {  	s30 =	sshll.u32 s29, $0xD;
	s31 =	sshrl.u32 s29, $0x2  }
0xb9: {  	s1 =	sand.u32 $0x1, s29;
	s2 =	sand.u32 $0x4000, s30;
	s0 =	sadd.s32 s31, s28  }
0xba: {  	s1 =	sor.u32 s2, s1;
	s0 =	sshll.u32 s0, $0x11  }
0xbb: {  	s0 =	sor.u32 s0, s1  }
0xbc: {  	s0 =	sadd.s32 $0x8F2B, s0  }
0xbd: {  	[sflag:s0] =	ssyncadd.remote.s32 $0x1  }
0xbe: {  	_ =	sfence.sel $0xFFFF  }
0xbf: {  	[dreg:$0x0] =	wrdreg $0xFFFFFFFF;
	(pc) =	sbr.abs _section_cstart, $3  }
0xc0: {  	[dreg:$0x1] =	wrdreg $0xFFFFFFFF  }
0xc1: {  	_ =	task.clear_ibuf [dreg:s6], $0x2FFFF;
	_ =	strace $0x9FFFFFFF  }
0xc2: {  	(tm) =	ssettm $0x7FFFFFFF  }
0xc3: {  	_ =	shalt  }
tec
execute0_lowered:
.L_overlay_start_1:
0x0: {  	(tag) =	ssettag $0x1  }
0x1: {  	s1 =	stileid.u32  }
0x2: {  	p0 =	sgt.u32 s1, $0x8  }
.Ltmp0:
0x3: {  	s2 =	rddreg [dreg:$0x0];
	(pc) =	sbr.rel @p0 .LBB2_4-.Ltmp0, $4  }
0x4: {  	s6 =	rddreg [dreg:$0x1]  }
0x5: {  	s4 =	rddreg [dreg:$0x2];
	s3 =	simm.s32 $0x0  }
0x6: {  	[smem:$0x7FF] =	sst s3  }
0x7: {  	s0 =	rddreg [dreg:$0x3];
	_ =	strace $0x80000047  }
0x8: {  	s5 =	sshll.u32 s1, $0x7;
	s7 =	simm.s32 $0x1400  }
0x9: {  	[tilespmem:s7], [sflag:$0x1] =	stream.linear.gather [hbm4b:s6+s3], $0x80, $0x38;
	[tilespmem:$0x1480] =	vst v63  }
0xa: {  	s18 =	simm.s32 $0x400;
	s19 =	simm.s32 $0x2400;
	s2 =	sadd.s32 s2, s5  }
0xb: {  	[tilespmem:s3], [sflag:$0x1] =	stream.strided.gather [hbm4b:s2+s18], $0x1000, s19, s18, $0x38;
	[tilespmem:$0x1480] =	vst v63  }
0xc: {  	s3 =	simm.s32 $0x1  }
0xd: {  	_ =	swait.ge [sflag:s3], $0x80  }
0xe: {  	[sflag:s3] =	ssyncset.done $0x0  }
0xf: {  	[sflag:s3] =	ssyncadd.s32 $0xFFFFFF80  }
0x10: {  	_ =	swait.ge [sflag:s3], $0x1000  }
0x11: {  	[sflag:s3] =	ssyncset.done $0x0  }
0x12: {  	[sflag:s3] =	ssyncadd.s32 $0xFFFFF000  }
0x13: {  	v0 =	vld [tilespmem:$0x1400];
	_ =	sdelay $0x4  }
0x14: {  	(v2sf) =	vpush v0, $0x8;
	_ =	sdelay $0xe  }
0x15: {  	s20 =	spop (v2sf)  }
0x16: {  	s2 =	scvt.f32.s32 s20;
	_ =	sdelay $0x1  }
0x17: {  	s21 =	sshra.s32 s2, $0x1F;
	s22 =	smulhi.u32 $0x38E38E39, s2  }
0x18: {  	s8 =	smul.u32 $0x38E38E39, s21;
	_ =	sdelay $0x1  }
0x19: {  	s7 =	sadd.s32 s8, s22  }
0x1a: {  	s8 =	sshrl.u32 s7, $0x1F;
	s7 =	sshra.s32 s7, $0x4  }
0x1b: {  	s9 =	smulhi.u32 $0xC71C71C7, s2;
	s7 =	sadd.s32 s8, s7  }
0x1c: {  	s7 =	smul.u32 $0x48, s7  }
0x1d: {  	p6 =	slt.s32 s2, $0x1  }
0x1e: {  	s24 =	ssub.s32 s9, s2;
	s7 =	ssub.s32 s2, s7;
	s2 =	simm.s32 $0x0  }
0x1f: {  	v19 =	vld [tilespmem:s2+$0x830]  }
0x20: {  	v11 =	vbroadcast v0, $0x0;
	v12 =	vbroadcast v0, $0x1;
	v20 =	vld [tilespmem:s2+$0xC30]  }
0x21: {  	v10 =	vbroadcast v0, $0x2;
	v9 =	vbroadcast v0, $0x3;
	v21 =	vld [tilespmem:s2+$0x38]  }
0x22: {  	p1 =	slt.s32 s7, $0x0;
	s8 =	sadd.s32 $0x48, s7;
	v23 =	vld [tilespmem:s2+$0x438]  }
0x23: {  	v2 =	vadd.f32 v12, v11;
	v8 =	vadd.f32 v9, v10;
	s6 =	smul.u32 $0xC71C71C7, s21;
	p0 =	sne.s32 s7, $0x0;
	s7 =	smov.u32 @p1 s8  }
0x24: {  	v7 =	vlaneseq.u32;
	s8 =	ssub.s32 $0x0, s7;
	s23 =	ssub.s32 $0x10, s7  }
0x25: {  	v2 =	vmul.f32 v8, v2;
	s6 =	sadd.s32 s6, s24;
	p0 =	por !p6, !p0;
	s30 =	ssub.s32 $0x38, s7;
	v0 =	vadd.s32 s8, v7;
	v1 =	vadd.s32 s23, v7  }
0x26: {  	p0 =	por !p0, !p0;
	s8 =	sshrl.u32 s6, $0x1F;
	s6 =	sshra.s32 s6, $0x4;
	v15 =	vadd.s32 s30, v7;
	v0 =	vcvt.s32.f32 v0;
	v1 =	vcvt.s32.f32 v1  }
0x27: {  	v34 =	vld [tilespmem:s2+$0x800];
	s3 =	simm.s32 @!p0 $0x0;
	s6 =	sadd.s32 s8, s6;
	v24 =	vcvt.s32.f32 v15;
	v32 =	vadd.f32 v20, v19;
	v33 =	vadd.f32 v23, v21  }
0x28: {  	s25 =	sshll.u32 s1, $0x3;
	v35 =	vld [tilespmem:s2+$0xC00];
	s3 =	sadd.s32 s3, s6;
	v3 =	vadd.f32 v0, v11;
	v4 =	vsub.f32 v12, v0;
	v0 =	vand.u32 $0x7FFFFFFF, v0  }
0x29: {  	v6 =	vadd.f32 v1, v11;
	v5 =	vsub.f32 v12, v1;
	v1 =	vand.u32 $0x7FFFFFFF, v1;
	s29 =	sadd.s32 s25, s3  }
0x2a: {  	v0 =	vsub.f32 $1.000000000e+01, v0;
	v13 =	vsub.f32 $1.000000000e+01, v1;
	v14 =	vmov s29  }
0x2b: {  	s26 =	ssub.s32 $0x20, s7;
	v1 =	vmin.f32 v3, v4;
	v8 =	vmin.f32 v6, v5;
	v14 =	vcvt.s32.f32 v14  }
0x2c: {  	s28 =	ssub.s32 $0x30, s7;
	v1 =	vmin.f32 v0, v1;
	v0 =	vmin.f32 v13, v8;
	v8 =	vadd.s32 s26, v7  }
0x2d: {  	v37 =	vadd.f32 v35, v34;
	v13 =	vcvt.s32.f32 v8;
	v8 =	vadd.s32 s28, v7  }
0x2e: {  	v17 =	vld [tilespmem:s2+$0x30];
	v27 =	vbroadcast v14, $0x0;
	v14 =	vadd.f32 v24, v11;
	v22 =	vcvt.s32.f32 v8  }
0x2f: {  	v18 =	vld [tilespmem:s2+$0x430];
	v8 =	vadd.f32 v13, v11;
	v7 =	vsub.f32 v12, v13;
	v26 =	vand.u32 $0x7FFFFFFF, v13  }
0x30: {  	v25 =	vld [tilespmem:s2+$0x838];
	v13 =	vsub.f32 v12, v24;
	v30 =	vsub.f32 v9, v27;
	v21 =	vmin.f32 v21, v14  }
0x31: {  	v28 =	vld [tilespmem:s2+$0xC38];
	v16 =	vadd.f32 v22, v11;
	v15 =	vsub.f32 v12, v22;
	v22 =	vand.u32 $0x7FFFFFFF, v22  }
0x32: {  	v11 =	vand.u32 $0x7FFFFFFF, v24;
	v24 =	vadd.f32 v27, v10;
	v26 =	vsub.f32 $1.000000000e+01, v26  }
0x33: {  	v27 =	vand.u32 $0x7FFFFFFF, v27;
	v23 =	vmin.f32 v23, v13;
	v20 =	vmin.f32 v20, v30  }
0x34: {  	v12 =	vmin.f32 v17, v16;
	v17 =	vadd.f32 v18, v17;
	v18 =	vmin.f32 v18, v15  }
0x35: {  	v57 =	vld [tilespmem:s2+$0xC10];
	v19 =	vmin.f32 v19, v24;
	v21 =	vadd.f32 v23, v21;
	v12 =	vadd.f32 v18, v12  }
0x36: {  	v58 =	vld [tilespmem:s2+$0x20];
	v35 =	vmin.f32 v35, v30;
	v18 =	vadd.f32 v28, v25;
	v19 =	vadd.f32 v20, v19  }
0x37: {  	v23 =	vld [tilespmem:s2+$0x810];
	v20 =	vmin.f32 v28, v30;
	v25 =	vmin.f32 v25, v24;
	v17 =	vmul.f32 v32, v17  }
0x38: {  	v36 =	vld [tilespmem:s2+$0x10];
	v27 =	vsub.f32 $1.000000000e+01, v27;
	v20 =	vadd.f32 v20, v25;
	v18 =	vmul.f32 v18, v33  }
0x39: {  	v28 =	vld [tilespmem:s2+$0x410];
	v25 =	vsub.f32 $1.000000000e+01, v11;
	v19 =	vmul.f32 v19, v12;
	v12 =	vadd.f32 v17, v2  }
0x3a: {  	v29 =	vld [tilespmem:s2+$0x0];
	v32 =	vmin.f32 v57, v30;
	v20 =	vmul.f32 v20, v21;
	v18 =	vadd.f32 v18, v2  }
0x3b: {  	v31 =	vld [tilespmem:s2+$0x400];
	v33 =	vmin.f32 v58, v8;
	v17 =	vsub.f32 $1.000000000e+01, v22;
	v21 =	vsub.f32 v12, v19  }
0x3c: {  	v22 =	vmin.f32 v16, v15;
	v59 =	vmin.f32 v23, v24;
	v18 =	vsub.f32 v18, v20  }
0x3d: {  	v38 =	vld [tilespmem:s2+$0xC20];
	v23 =	vadd.f32 v57, v23;
	v11 =	vmin.f32 v17, v22;
	v21 =	vadd.f32 $1.000000000e+00, v21  }
0x3e: {  	v12 =	vmin.f32 v14, v13;
	v17 =	vld [tilespmem:s2+$0x420];
	v39 =	vadd.f32 v28, v36;
	v18 =	vadd.f32 $1.000000000e+00, v18  }
0x3f: {  	v22 =	vld [tilespmem:s2+$0x820];
	v28 =	vmin.f32 v28, v5;
	v32 =	vadd.f32 v32, v59;
	(erf) = vrcp.f32 v21  }
0x40: {  	v12 =	vmin.f32 v25, v12;
	v25 =	vadd.f32 v31, v29;
	(erf) = vrcp.f32 v18  }
0x41: {  	v19 =	vadd.f32 $1.000000000e+00, v19;
	v29 =	vmin.f32 v29, v3;
	v23 =	vmul.f32 v23, v39  }
0x42: {  	v20 =	vadd.f32 $1.000000000e+00, v20;
	v25 =	vmul.f32 v37, v25;
	v21 =	vmin.f32 v34, v24  }
0x43: {  	v23 =	vadd.f32 v23, v2;
	v18 =	vmin.f32 v31, v4;
	v31 =	vmin.f32 v36, v6  }
0x44: {  	v60 =	vadd.f32 v17, v58;
	v40 =	vmin.f32 v22, v24;
	v22 =	vadd.f32 v38, v22  }
0x45: {  	v38 =	vmin.f32 v38, v30;
	v21 =	vadd.f32 v35, v21;
	v18 =	vadd.f32 v18, v29  }
0x46: {  	v17 =	vmin.f32 v17, v7;
	v24 =	vmin.f32 v24, v30;
	v29 =	vadd.f32 v38, v40  }
0x47: {  	v24 =	vmin.f32 v27, v24;
	v18 =	vmul.f32 v21, v18;
	v21 =	vadd.f32 v25, v2  }
0x48: {  	v28 =	vadd.f32 v28, v31;
	v17 =	vadd.f32 v17, v33;
	v22 =	vmul.f32 v22, v60;
	v27 =	vpop (erf)  }
0x49: {  	v21 =	vsub.f32 v21, v18;
	v19 =	vmul.f32 v27, v19;
	v27 =	vmin.f32 v24, v11;
	v30 =	vpop (erf)  }
0x4a: {  	vm0 =	vge.f32 v27, $0.0e+00;
	v20 =	vmul.f32 v30, v20;
	v27 =	vmin.f32 v24, v12  }
0x4b: {  	s3 =	simm.s32 $0x80;
	v21 =	vadd.f32 $1.000000000e+00, v21;
	v19 =	vnsel vm0, $0x0, v19;
	vm0 =	vge.f32 v27, $0.0e+00  }
0x4c: {  	v22 =	vadd.f32 v22, v2;
	v30 =	vld [tilespmem:s3+$0x30];
	[tilespmem:s2+$0x1030] =	vst v19;
	v19 =	vmul.f32 v32, v28;
	v20 =	vnsel vm0, $0x0, v20  }
0x4d: {  	v18 =	vadd.f32 $1.000000000e+00, v18;
	(erf) = vrcp.f32 v21;
	v21 =	vmin.f32 v24, v0;
	v25 =	vld [tilespmem:s3+$0x430];
	[tilespmem:s2+$0x1038] =	vst v20  }
0x4e: {  	s31 =	sadd.s32 $0x1, s29;
	v27 =	vmul.f32 v29, v17;
	v17 =	vmin.f32 v8, v7;
	v20 =	vsub.f32 v23, v19;
	v23 =	vld [tilespmem:s3+$0x830]  }
0x4f: {  	vm1 =	vge.f32 v21, $0.0e+00;
	v29 =	vmov s31;
	v17 =	vmin.f32 v26, v17;
	v26 =	vld [tilespmem:s3+$0xC30]  }
0x50: {  	vm2 =	vmmov vm1;
	v28 =	vmin.f32 v24, v1;
	v29 =	vcvt.s32.f32 v29;
	v31 =	vld [tilespmem:s3+$0x38]  }
0x51: {  	v22 =	vsub.f32 v22, v27;
	v27 =	vadd.f32 $1.000000000e+00, v27;
	vm0 =	vge.f32 v28, $0.0e+00;
	v61 =	vld [tilespmem:s3+$0x438]  }
0x52: {  	v24 =	vmin.f32 v24, v17;
	v19 =	vadd.f32 $1.000000000e+00, v19;
	v62 =	vld [tilespmem:s3+$0x838];
	v20 =	vadd.f32 $1.000000000e+00, v20  }
0x53: {  	v28 =	vld [tilespmem:s3+$0xC38];
	vm3 =	vge.f32 v24, $0.0e+00;
	vm0 =	vmmov vm0;
	v22 =	vadd.f32 $1.000000000e+00, v22  }
0x54: {  	v21 =	vld [tilespmem:s3+$0x0];
	vm1 =	vmmov vm3;
	(erf) = vrcp.f32 v20;
	v20 =	vbroadcast v29, $0x0  }
0x55: {  	v48 =	vld [tilespmem:s3+$0x10];
	v29 =	vmin.f32 v30, v16;
	v30 =	vadd.f32 v25, v30;
	v25 =	vmin.f32 v25, v15  }
0x56: {  	v49 =	vld [tilespmem:s3+$0x410];
	(erf) = vrcp.f32 v22;
	v45 =	vadd.f32 v26, v23;
	v46 =	vadd.f32 v61, v31  }
0x57: {  	v51 =	vld [tilespmem:s3+$0x20];
	v31 =	vmin.f32 v31, v14;
	v24 =	vadd.f32 v20, v10;
	v63 =	vsub.f32 v9, v20  }
0x58: {  	v52 =	vld [tilespmem:s3+$0x420];
	v25 =	vadd.f32 v25, v29;
	v29 =	vadd.f32 v28, v62;
	v32 =	vmin.f32 v61, v13  }
0x59: {  	v44 =	vld [tilespmem:s3+$0x800];
	v30 =	vmul.f32 v45, v30;
	v26 =	vmin.f32 v26, v63;
	v23 =	vmin.f32 v23, v24  }
0x5a: {  	v47 =	vld [tilespmem:s3+$0xC00];
	v33 =	vmin.f32 v62, v24;
	v23 =	vadd.f32 v26, v23;
	v26 =	vmin.f32 v28, v63  }
0x5b: {  	v50 =	vld [tilespmem:s3+$0xC10];
	v31 =	vadd.f32 v32, v31;
	v29 =	vmul.f32 v29, v46;
	v26 =	vadd.f32 v26, v33  }
0x5c: {  	v42 =	vld [tilespmem:s3+$0xC20];
	v54 =	vadd.f32 v49, v48;
	v23 =	vmul.f32 v23, v25;
	v25 =	vadd.f32 v30, v2  }
0x5d: {  	v22 =	vld [tilespmem:s3+$0x400];
	v55 =	vadd.f32 v52, v51;
	v29 =	vadd.f32 v29, v2;
	v26 =	vmul.f32 v26, v31  }
0x5e: {  	v40 =	vmin.f32 v49, v5;
	v20 =	vand.u32 $0x7FFFFFFF, v20;
	v25 =	vsub.f32 v25, v23  }
0x5f: {  	v41 =	vld [tilespmem:s3+$0x820];
	v57 =	vmin.f32 v52, v7;
	v20 =	vsub.f32 $1.000000000e+01, v20;
	v29 =	vsub.f32 v29, v26  }
0x60: {  	v53 =	vmin.f32 v47, v63;
	v35 =	vmin.f32 v44, v24;
	v25 =	vadd.f32 $1.000000000e+00, v25  }
0x61: {  	v32 =	vmin.f32 v50, v63;
	v56 =	vmin.f32 v42, v63;
	v28 =	vld [tilespmem:s3+$0x810];
	v29 =	vadd.f32 $1.000000000e+00, v29  }
0x62: {  	v33 =	vmin.f32 v51, v8;
	v30 =	vadd.f32 v22, v21;
	(erf) = vrcp.f32 v25  }
0x63: {  	v21 =	vmin.f32 v21, v3;
	v22 =	vmin.f32 v22, v4;
	(erf) = vrcp.f32 v29  }
0x64: {  	v58 =	vpop (erf);
	v33 =	vadd.f32 v57, v33;
	v31 =	vadd.f32 v47, v44;
	v44 =	vmin.f32 v41, v24  }
0x65: {  	v21 =	vadd.f32 v22, v21;
	v22 =	vmul.f32 v58, v18;
	v59 =	vadd.f32 v56, v44  }
0x66: {  	v23 =	vadd.f32 $1.000000000e+00, v23;
	v43 =	vmin.f32 v28, v24;
	v28 =	vadd.f32 v50, v28  }
0x67: {  	v30 =	vmul.f32 v31, v30;
	v31 =	vadd.f32 v53, v35;
	v25 =	vmin.f32 v48, v6  }
0x68: {  	v24 =	vmin.f32 v24, v63;
	v32 =	vadd.f32 v32, v43;
	v28 =	vmul.f32 v28, v54  }
0x69: {  	v60 =	vpop (erf);
	v34 =	vmin.f32 v20, v24;
	v24 =	vadd.f32 $1.000000000e+00, v26;
	v33 =	vmul.f32 v59, v33  }
0x6a: {  	v21 =	vmul.f32 v31, v21;
	v29 =	vadd.f32 v42, v41;
	v18 =	vadd.f32 v40, v25;
	v25 =	vpop (erf)  }
0x6b: {  	v30 =	vadd.f32 v30, v2;
	v31 =	vmul.f32 v60, v19;
	v26 =	vadd.f32 v28, v2;
	v20 =	vpop (erf)  }
0x6c: {  	v29 =	vmul.f32 v29, v55;
	v20 =	vmul.f32 v20, v23;
	v23 =	vmin.f32 v34, v11;
	v28 =	vpop (erf)  }
0x6d: {  	vm3 =	vge.f32 v23, $0.0e+00;
	v23 =	vmul.f32 v28, v24;
	v28 =	vmin.f32 v34, v12  }
0x6e: {  	s6 =	simm.s32 $0x100;
	v18 =	vmul.f32 v32, v18;
	v20 =	vnsel vm3, $0x0, v20;
	vm3 =	vge.f32 v28, $0.0e+00  }
0x6f: {  	v61 =	vmin.f32 v34, v1;
	v29 =	vadd.f32 v29, v2;
	v24 =	vld [tilespmem:s6+$0x30];
	[tilespmem:s3+$0x1030] =	vst v20;
	v23 =	vnsel vm3, $0x0, v23  }
0x70: {  	v63 =	vmin.f32 v34, v0;
	v28 =	vsub.f32 v30, v21;
	v30 =	vsub.f32 v26, v18;
	v26 =	vld [tilespmem:s6+$0x430];
	[tilespmem:s3+$0x1038] =	vst v23  }
0x71: {  	v19 =	vadd.f32 $1.000000000e+00, v33;
	vm4 =	vge.f32 v61, $0.0e+00;
	v20 =	vadd.f32 $1.000000000e+00, v21;
	v23 =	vld [tilespmem:s6+$0x830]  }
0x72: {  	s7 =	sadd.s32 $0x1, s31;
	v32 =	vmul.f32 v25, v27;
	v21 =	vsub.f32 v29, v33;
	v28 =	vadd.f32 $1.000000000e+00, v28;
	v25 =	vld [tilespmem:s6+$0xC30]  }
0x73: {  	vm5 =	vge.f32 v63, $0.0e+00;
	v27 =	vmov s7;
	v29 =	vadd.f32 $1.000000000e+00, v30;
	v30 =	vld [tilespmem:s6+$0x38]  }
0x74: {  	v62 =	vcvt.s32.f32 v27;
	v21 =	vadd.f32 $1.000000000e+00, v21;
	v27 =	vld [tilespmem:s6+$0x838];
	(erf) = vrcp.f32 v28  }
0x75: {  	v34 =	vmin.f32 v34, v17;
	v18 =	vadd.f32 $1.000000000e+00, v18;
	v28 =	vld [tilespmem:s6+$0x438];
	(erf) = vrcp.f32 v29  }
0x76: {  	s4 =	sadd.s32 s4, s5;
	s5 =	simm.s32 $0x600;
	vm3 =	vge.f32 v34, $0.0e+00;
	v29 =	vld [tilespmem:s6+$0xC38];
	(erf) = vrcp.f32 v21;
	v21 =	vbroadcast v62, $0x0  }
.LBB2_2:
0x77: {  	v22 =	vnsel vm0, $0x0, v22;
	v31 =	vnsel vm2, $0x0, v31;
	v32 =	vnsel vm1, $0x0, v32  }
0x78: {  	p0 =	sne.s32 s5, $0xE00;
	v33 =	vld [tilespmem:s6+$0x0];
	vm0 =	vmmov vm4;
	vm2 =	vmmov vm5;
	vm1 =	vmmov vm3  }
0x79: {  	v36 =	vmin.f32 v24, v16;
	v34 =	vadd.f32 v21, v10;
	v35 =	vld [tilespmem:s6+$0x400];
	[tilespmem:s2+$0x1000] =	vst v22  }
0x7a: {  	v24 =	vadd.f32 v26, v24;
	v26 =	vmin.f32 v26, v15;
	v37 =	vsub.f32 v9, v21;
	v22 =	vld [tilespmem:s6+$0x800];
	[tilespmem:s2+$0x1010] =	vst v31  }
0x7b: {  	v41 =	vadd.f32 v25, v23;
	v39 =	vadd.f32 v28, v30;
	v30 =	vmin.f32 v30, v14;
	v31 =	vld [tilespmem:s6+$0xC00];
	[tilespmem:s2+$0x1020] =	vst v32;
	s2 =	smov.u32 s3;
	s3 =	smov.u32 s6  }
0x7c: {  	v26 =	vadd.f32 v26, v36;
	v28 =	vmin.f32 v28, v13;
	v32 =	vld [tilespmem:s3+$0x10];
	v36 =	vadd.f32 v29, v27  }
0x7d: {  	v24 =	vmul.f32 v41, v24;
	v25 =	vmin.f32 v25, v37;
	v23 =	vmin.f32 v23, v34;
	v40 =	vld [tilespmem:s3+$0x410];
	v38 =	vpop (erf)  }
0x7e: {  	v43 =	vmin.f32 v27, v34;
	v23 =	vadd.f32 v25, v23;
	v25 =	vmin.f32 v29, v37;
	v41 =	vld [tilespmem:s3+$0x810];
	v29 =	vpop (erf)  }
0x7f: {  	v28 =	vadd.f32 v28, v30;
	v25 =	vadd.f32 v25, v43;
	v36 =	vmul.f32 v36, v39;
	v42 =	vld [tilespmem:s3+$0xC10];
	v27 =	vpop (erf)  }
0x80: {  	v24 =	vadd.f32 v24, v2;
	v30 =	vadd.f32 v35, v33;
	v23 =	vmul.f32 v23, v26;
	v39 =	vld [tilespmem:s3+$0x20]  }
0x81: {  	v25 =	vmul.f32 v25, v28;
	v26 =	vadd.f32 v31, v22;
	v28 =	vadd.f32 v36, v2;
	v43 =	vld [tilespmem:s3+$0x420]  }
0x82: {  	v31 =	vmin.f32 v31, v37;
	v24 =	vsub.f32 v24, v23;
	v36 =	vadd.f32 v40, v32;
	v44 =	vld [tilespmem:s3+$0x820]  }
0x83: {  	v22 =	vmin.f32 v22, v34;
	v28 =	vsub.f32 v28, v25;
	v45 =	vmin.f32 v41, v34;
	v46 =	vld [tilespmem:s3+$0xC20]  }
0x84: {  	v24 =	vadd.f32 $1.000000000e+00, v24;
	v41 =	vadd.f32 v42, v41;
	v42 =	vmin.f32 v42, v37  }
0x85: {  	v33 =	vmin.f32 v33, v3;
	v35 =	vmin.f32 v35, v4;
	v28 =	vadd.f32 $1.000000000e+00, v28  }
0x86: {  	v32 =	vmin.f32 v32, v6;
	v47 =	vadd.f32 v43, v39;
	(erf) = vrcp.f32 v24  }
0x87: {  	v24 =	vmin.f32 v40, v5;
	v40 =	vmin.f32 v44, v34;
	(erf) = vrcp.f32 v28  }
0x88: {  	v39 =	vmin.f32 v39, v8;
	v28 =	vadd.f32 v46, v44;
	v44 =	vmin.f32 v46, v37  }
0x89: {  	v26 =	vmul.f32 v26, v30;
	v30 =	vadd.f32 v31, v22;
	v31 =	vmin.f32 v43, v7  }
0x8a: {  	v36 =	vmul.f32 v41, v36;
	v41 =	vadd.f32 v42, v45;
	v28 =	vmul.f32 v28, v47  }
0x8b: {  	v33 =	vadd.f32 v35, v33;
	v22 =	vmul.f32 v38, v20;
	v35 =	vadd.f32 v44, v40  }
0x8c: {  	v20 =	vand.u32 $0x7FFFFFFF, v21;
	v21 =	vadd.f32 v24, v32;
	v24 =	vadd.f32 v31, v39  }
0x8d: {  	v20 =	vsub.f32 $1.000000000e+01, v20;
	v30 =	vmul.f32 v30, v33;
	v26 =	vadd.f32 v26, v2  }
0x8e: {  	v23 =	vadd.f32 $1.000000000e+00, v23;
	v32 =	vmin.f32 v34, v37;
	v21 =	vmul.f32 v41, v21  }
0x8f: {  	v25 =	vadd.f32 $1.000000000e+00, v25;
	v33 =	vmin.f32 v20, v32;
	v20 =	vadd.f32 v36, v2;
	v31 =	vpop (erf)  }
0x90: {  	v34 =	vmul.f32 v35, v24;
	v24 =	vmin.f32 v33, v11;
	v23 =	vmul.f32 v31, v23;
	v31 =	vpop (erf)  }
0x91: {  	vm3 =	vge.f32 v24, $0.0e+00;
	v24 =	vmin.f32 v33, v12;
	v25 =	vmul.f32 v31, v25  }
0x92: {  	s6 =	sshra.s32 s5, $0x2;
	v28 =	vadd.f32 v28, v2;
	v23 =	vnsel vm3, $0x0, v23;
	vm3 =	vge.f32 v24, $0.0e+00  }
0x93: {  	v32 =	vsub.f32 v26, v30;
	v35 =	vsub.f32 v20, v21;
	v24 =	vld [tilespmem:s6+$0x30];
	[tilespmem:s3+$0x1030] =	vst v23;
	v23 =	vnsel vm3, $0x0, v25  }
0x94: {  	v20 =	vadd.f32 $1.000000000e+00, v30;
	v28 =	vsub.f32 v28, v34;
	v31 =	vmul.f32 v29, v18;
	v26 =	vld [tilespmem:s6+$0x430];
	[tilespmem:s3+$0x1038] =	vst v23  }
0x95: {  	v35 =	vadd.f32 $1.000000000e+00, v35;
	v29 =	vadd.f32 $1.000000000e+00, v32;
	v32 =	vmul.f32 v27, v19;
	v23 =	vld [tilespmem:s6+$0x830]  }
.Ltmp1:
0x96: {  	s7 =	sadd.s32 $0x1, s7;
	v36 =	vmin.f32 v33, v1;
	v18 =	vadd.f32 $1.000000000e+00, v21;
	v21 =	vadd.f32 $1.000000000e+00, v28;
	v25 =	vld [tilespmem:s6+$0xC30];
	(pc) =	sbr.rel @p0 .LBB2_2-.Ltmp1, $4  }
0x97: {  	v27 =	vmov s7;
	v19 =	vadd.f32 $1.000000000e+00, v34;
	v30 =	vld [tilespmem:s6+$0x38];
	(erf) = vrcp.f32 v29  }
0x98: {  	v34 =	vmin.f32 v33, v0;
	v29 =	vcvt.s32.f32 v27;
	v28 =	vld [tilespmem:s6+$0x438];
	(erf) = vrcp.f32 v35  }
0x99: {  	vm4 =	vge.f32 v36, $0.0e+00;
	v33 =	vmin.f32 v33, v17;
	v27 =	vld [tilespmem:s6+$0x838];
	(erf) = vrcp.f32 v21  }
0x9a: {  	s5 =	sadd.s32 $0x200, s5;
	vm5 =	vge.f32 v34, $0.0e+00;
	vm3 =	vge.f32 v33, $0.0e+00;
	v21 =	vbroadcast v29, $0x0;
	v29 =	vld [tilespmem:s6+$0xC38]  }
0x9b: {  	v33 =	vld [tilespmem:s6+$0x0];
	v22 =	vnsel vm0, $0x0, v22  }
0x9c: {  	v34 =	vld [tilespmem:s6+$0x400];
	v41 =	vnsel vm2, $0x0, v31;
	[tilespmem:s2+$0x1000] =	vst v22  }
0x9d: {  	v32 =	vnsel vm1, $0x0, v32;
	v16 =	vmin.f32 v24, v16;
	v42 =	vld [tilespmem:s6+$0x800];
	[tilespmem:s2+$0x1010] =	vst v41  }
0x9e: {  	v43 =	vadd.f32 v26, v24;
	v15 =	vmin.f32 v26, v15;
	v45 =	vadd.f32 v25, v23;
	v44 =	vld [tilespmem:s6+$0xC00];
	[tilespmem:s2+$0x1020] =	vst v32  }
0x9f: {  	v10 =	vadd.f32 v21, v10;
	v9 =	vsub.f32 v9, v21;
	v14 =	vmin.f32 v30, v14;
	v46 =	vld [tilespmem:s6+$0x10]  }
0xa0: {  	v15 =	vadd.f32 v15, v16;
	v35 =	vadd.f32 v28, v30;
	v13 =	vmin.f32 v28, v13;
	v48 =	vld [tilespmem:s6+$0x410]  }
0xa1: {  	v22 =	vmul.f32 v45, v43;
	v49 =	vmin.f32 v25, v9;
	v50 =	vmin.f32 v23, v10;
	v51 =	vld [tilespmem:s6+$0x810]  }
0xa2: {  	v53 =	vmin.f32 v27, v10;
	v13 =	vadd.f32 v13, v14;
	v47 =	vadd.f32 v29, v27;
	v54 =	vld [tilespmem:s6+$0xC10]  }
0xa3: {  	v23 =	vadd.f32 v49, v50;
	v52 =	vmin.f32 v29, v9;
	v57 =	vld [tilespmem:s6+$0x20];
	v22 =	vadd.f32 v22, v2  }
0xa4: {  	v32 =	vld [tilespmem:s6+$0x420];
	v55 =	vadd.f32 v52, v53;
	v56 =	vadd.f32 v34, v33;
	v3 =	vmin.f32 v33, v3  }
0xa5: {  	v62 =	vld [tilespmem:s6+$0x820];
	v4 =	vmin.f32 v34, v4;
	v16 =	vmul.f32 v47, v35;
	v15 =	vmul.f32 v23, v15  }
0xa6: {  	v37 =	vld [tilespmem:s6+$0xC20];
	v3 =	vadd.f32 v4, v3;
	v13 =	vmul.f32 v55, v13;
	v31 =	vmin.f32 v42, v10  }
0xa7: {  	v58 =	vadd.f32 v44, v42;
	v59 =	vadd.f32 v16, v2;
	v60 =	vmin.f32 v44, v9  }
0xa8: {  	v22 =	vsub.f32 v22, v15;
	v61 =	vadd.f32 v48, v46;
	v36 =	vmin.f32 v51, v10  }
0xa9: {  	v26 =	vadd.f32 v54, v51;
	v29 =	vmin.f32 v54, v9;
	v6 =	vmin.f32 v46, v6  }
0xaa: {  	v63 =	vadd.f32 v32, v57;
	v5 =	vmin.f32 v48, v5;
	v33 =	vmin.f32 v62, v10  }
0xab: {  	v34 =	vadd.f32 v37, v62;
	v8 =	vmin.f32 v57, v8;
	v35 =	vmin.f32 v37, v9  }
0xac: {  	v16 =	vadd.f32 v60, v31;
	v7 =	vmin.f32 v32, v7;
	v14 =	vsub.f32 v59, v13  }
0xad: {  	v22 =	vadd.f32 $1.000000000e+00, v22;
	v23 =	vmul.f32 v58, v56;
	v37 =	vadd.f32 v29, v36  }
0xae: {  	v39 =	vadd.f32 v35, v33;
	v5 =	vadd.f32 v5, v6;
	v24 =	vmul.f32 v26, v61  }
0xaf: {  	v40 =	vadd.f32 v7, v8;
	v38 =	vmul.f32 v34, v63;
	v3 =	vmul.f32 v16, v3  }
0xb0: {  	v14 =	vadd.f32 $1.000000000e+00, v14;
	(erf) = vrcp.f32 v22;
	v41 =	vadd.f32 v23, v2  }
0xb1: {  	v5 =	vmul.f32 v37, v5;
	v6 =	vmul.f32 v39, v40;
	v42 =	vadd.f32 v24, v2  }
0xb2: {  	v43 =	vadd.f32 v38, v2;
	(erf) = vrcp.f32 v14;
	v44 =	vsub.f32 v41, v3  }
0xb3: {  	v45 =	vsub.f32 v42, v5  }
0xb4: {  	vm14 =	vmmov vm4;
	v2 =	vsub.f32 v43, v6;
	v4 =	vadd.f32 $1.000000000e+00, v44  }
0xb5: {  	vm15 =	vmmov vm5;
	vm8 =	vmmov vm3;
	v46 =	vpop (erf);
	v7 =	vadd.f32 $1.000000000e+00, v45  }
0xb6: {  	v47 =	vand.u32 $0x7FFFFFFF, v21;
	v48 =	vpop (erf);
	v2 =	vadd.f32 $1.000000000e+00, v2;
	(erf) = vrcp.f32 v4  }
0xb7: {  	v50 =	vadd.f32 $1.000000000e+00, v15;
	v8 =	vmul.f32 v46, v20;
	v49 =	vpop (erf);
	(erf) = vrcp.f32 v7  }
0xb8: {  	v56 =	vmul.f32 v48, v18;
	v14 =	vsub.f32 $1.000000000e+01, v47;
	(erf) = vrcp.f32 v2  }
0xb9: {  	v9 =	vmin.f32 v10, v9;
	v52 =	vadd.f32 $1.000000000e+00, v13;
	v58 =	vnsel vm14, $0x0, v8  }
0xba: {  	v60 =	vnsel vm15, $0x0, v56;
	v3 =	vadd.f32 $1.000000000e+00, v3;
	v51 =	vmin.f32 v14, v9;
	v53 =	vpop (erf)  }
0xbb: {  	v5 =	vadd.f32 $1.000000000e+00, v5;
	v11 =	vmin.f32 v51, v11;
	v10 =	vmul.f32 v53, v50;
	v54 =	vpop (erf)  }
0xbc: {  	v55 =	vmin.f32 v51, v12;
	vm9 =	vge.f32 v11, $0.0e+00;
	v2 =	vmul.f32 v54, v52  }
0xbd: {  	v6 =	vadd.f32 $1.000000000e+00, v6;
	vm10 =	vge.f32 v55, $0.0e+00;
	v10 =	vnsel vm9, $0x0, v10  }
0xbe: {  	v1 =	vmin.f32 v51, v1;
	v0 =	vmin.f32 v51, v0;
	[tilespmem:s6+$0x1030] =	vst v10;
	v2 =	vnsel vm10, $0x0, v2  }
0xbf: {  	v57 =	vmin.f32 v51, v17;
	v4 =	vmul.f32 v49, v19;
	vm11 =	vge.f32 v1, $0.0e+00;
	[tilespmem:s6+$0x1038] =	vst v2;
	v59 =	vpop (erf)  }
0xc0: {  	vm12 =	vge.f32 v0, $0.0e+00;
	vm13 =	vge.f32 v57, $0.0e+00;
	[tilespmem:s3+$0x1000] =	vst v58;
	v61 =	vpop (erf);
	v2 =	vmul.f32 v59, v3  }
0xc1: {  	vm14 =	vmmov vm11;
	v62 =	vnsel vm8, $0x0, v4;
	[tilespmem:s3+$0x1010] =	vst v60;
	v63 =	vpop (erf);
	v0 =	vmul.f32 v61, v5  }
0xc2: {  	vm15 =	vmmov vm12;
	[tilespmem:s3+$0x1020] =	vst v62;
	v1 =	vmul.f32 v63, v6;
	v2 =	vnsel vm14, $0x0, v2  }
0xc3: {  	vm0 =	vmmov vm13;
	v0 =	vnsel vm15, $0x0, v0;
	[tilespmem:s6+$0x1000] =	vst v2  }
0xc4: {  	v1 =	vnsel vm0, $0x0, v1;
	[tilespmem:s6+$0x1010] =	vst v0  }
0xc5: {  	s29 =	simm.s32 $0x0;
	s30 =	simm.s32 $0x1000;
	s31 =	simm.s32 $0x2;
	[tilespmem:s6+$0x1020] =	vst v1  }
0xc6: {  	[hbm4b:s4+s29] =	stream.linear.scatter [tilespmem:s30], [sflag:$0x2], $0x400, $0x38;
	[tilespmem:$0x1480] =	vst v63  }
0xc7: {  	_ =	swait.ge [sflag:s31], $0x400  }
0xc8: {  	[sflag:s31] =	ssyncset.done $0x0  }
0xc9: {  	[sflag:s31] =	ssyncadd.s32 $0xFFFFFC00  }
.LBB2_4:
0xca: {  	_ =	sfence.sel $0x180000  }
0xcb: {  	[bflag:$0x0] =	sbarrier.arrive $0xFFFF  }
0xcc: {  	p0 =	sne.s32 s1, $0x0;
	_ =	strace $0x90000047  }
0xcd: {  	s0 =	sadd.s32 @!p0 $0x100000, s0;
	[bflag:$0x2] =	sbarrier.arrive $0xFFFF  }
0xce: {  	[sflag:s0] =	ssyncadd.tile.s32 @!p0 $0x1;
	_ =	shalt  }
.Lfunc_end2:
_tile_overlayer_lowered:
.L_overlay_start_2:
0xcf: {  	(tag) =	ssettag $0x2  }
0xd0: {  	s0 =	rddreg [dreg:$0x0];
	s2 =	stileid.u32  }
0xd1: {  	s1 =	rddreg [dreg:$0x1];
	p0 =	sne.s32 s2, $0x0  }
0xd2: {  	s3 =	rddreg [dreg:$0x2];
	[bflag:$0x3] =	sbarrier.arrive $0xFFFF;
	s2 =	simm.s32 @!p0 $0x1C02  }
0xd3: {  	[timem:s3], [sflag:s2] =	dma.local @!p0 [hbm:s0], s1  }
0xd4: {  	s0 =	simm.s32 @!p0 $0x2  }
0xd5: {  	_ =	swait.ge @!p0 [sflag:s0], s1  }
0xd6: {  	s1 =	ssub.s32 @!p0 $0x0, s1;
	[sflag:s0] =	ssyncset.done @!p0 $0x0  }
0xd7: {  	[sflag:s0] =	ssyncadd.s32 @!p0 s1  }
0xd8: {  	[bflag:$0x3] =	sbarrier.arrive $0xFFFF  }
0xd9: {  	_ =	shalt  }

</sc_bundles>
